<compile_context>
chip_gen: v7x
topology: tpu7x:2x2x1
jax: 0.10.2.dev20260603
libtpu: 0.0.44.dev20260713+nightly
codegen_flags: <defaults>
</compile_context>

<pallas_src>
import functools

import jax
import jax.numpy as jnp
from jax import lax
from jax.experimental import pallas as pl
from jax.experimental.pallas import tpu as pltpu
from jax.experimental.pallas import tpu_sc as plsc

_BATCH = 16384
_SEQ = 200
_NUM_TOKENS = 1000
_LANES = 16
_COLS = 128
_UNROLL = 8


def _make_kernel():
  info = plsc.get_sparse_core_info()
  nc, ns = info.num_cores, info.num_subcores
  nw = nc * ns
  cols_per_w = _BATCH // nw
  n_chunks = cols_per_w // _COLS
  n_pairs = n_chunks // 2
  groups = _COLS // _LANES
  n_steps = _SEQ // _UNROLL

  mesh = plsc.VectorSubcoreMesh(core_axis_name="c", subcore_axis_name="s")

  @functools.partial(
      pl.kernel,
      mesh=mesh,
      compiler_params=pltpu.CompilerParams(
          needs_layout_passes=False, use_tc_tiling_on_sc=True),
      out_type=jax.ShapeDtypeStruct((_BATCH,), jnp.float32),
      scratch_types=[
          pltpu.VMEM((_NUM_TOKENS,), jnp.float32),
          pltpu.VMEM((_LANES,), jnp.float32),
          pltpu.VMEM((_SEQ, _COLS), jnp.int32),
          pltpu.VMEM((_SEQ, _COLS), jnp.int32),
          pltpu.VMEM((_SEQ, _COLS), jnp.int32),
          pltpu.VMEM((_SEQ, _COLS), jnp.int32),
          pltpu.VMEM((cols_per_w,), jnp.float32),
          pltpu.SemaphoreType.DMA,
          pltpu.SemaphoreType.DMA,
      ],
  )
  def sc_kernel(counts_hbm, terms_hbm, weights_hbm, bias_hbm, out_hbm,
                w_v, b_v, c_v0, t_v0, c_v1, t_v1, o_v, sem0, sem1):
    wid = lax.axis_index("s") * nc + lax.axis_index("c")
    col0 = wid * cols_per_w

    bufs = ((c_v0, t_v0, sem0), (c_v1, t_v1, sem1))

    def issue(chunk, which):
      c_v, t_v, sem = bufs[which]
      c = col0 + chunk * _COLS
      pltpu.make_async_copy(
          counts_hbm.at[:, pl.ds(c, _COLS)], c_v, sem).start()
      pltpu.make_async_copy(
          terms_hbm.at[:, pl.ds(c, _COLS)], t_v, sem).start()

    issue(0, 0)
    pltpu.sync_copy(weights_hbm, w_v)
    pltpu.sync_copy(bias_hbm, b_v)
    bias_vec = b_v[...]
    zero = jnp.zeros((_LANES,), jnp.float32)

    def drain(which):
      c_v, t_v, sem = bufs[which]
      pltpu.make_async_copy(
          counts_hbm.at[:, pl.ds(0, _COLS)], c_v, sem).wait()
      pltpu.make_async_copy(
          terms_hbm.at[:, pl.ds(0, _COLS)], t_v, sem).wait()

    def compute(chunk, which):
      c_ref, t_ref, _ = bufs[which]

      @plsc.parallel_loop(0, groups)
      def group_body(g):
        col = g * _LANES

        def s_body(k, accs):
          accs = list(accs)
          s0 = k * _UNROLL
          for j in range(_UNROLL):
            t = t_ref[s0 + j, pl.ds(col, _LANES)]
            c = c_ref[s0 + j, pl.ds(col, _LANES)]
            w = plsc.load_gather(w_v, [t])
            accs[j % 4] = accs[j % 4] + c.astype(jnp.float32) * w
          return tuple(accs)

        a0, a1, a2, a3 = lax.fori_loop(
            0, n_steps, s_body, (zero, zero, zero, zero))
        x = (a0 + a1) + (a2 + a3) + bias_vec
        o_v[pl.ds(chunk * _COLS + col, _LANES)] = 1.0 / (1.0 + jnp.exp(-x))

    def pair_body(i, _):
      issue(2 * i + 1, 1)
      drain(0)
      compute(2 * i, 0)

      @pl.when(i < n_pairs - 1)
      def _():
        issue(2 * i + 2, 0)

      drain(1)
      compute(2 * i + 1, 1)
      return ()

    lax.fori_loop(0, n_pairs, pair_body, ())
    pltpu.sync_copy(o_v, out_hbm.at[pl.ds(wid * cols_per_w, cols_per_w)])

  return sc_kernel


_sc_kernel = _make_kernel()


@jax.jit
def kernel(counts, terms, weights, bias):
  bias_vec = jnp.broadcast_to(bias, (_LANES,)).astype(jnp.float32)
  return _sc_kernel(counts.T, terms.T, weights, bias_vec)

# --- scband reference (transcript-rebuilt; emitter-appended) ---
"""Pipeline reference for scband-term-matching-scorer-10075993276720 (READ-ONLY COPY).

The authoritative reference and input builder live on the scoring server;
editing this copy changes nothing except your own understanding.
"""

import jax, jax.numpy as jnp
import numpy as np

NUM_TOKENS = 1000
BATCH = 16384
SEQ = 200

def setup_inputs(seed: int = 0):
    key = jax.random.key(seed)
    k1, k2, k3, k4 = jax.random.split(key, 4)
    counts = jax.random.randint(k1, (BATCH, SEQ), 0, 10, dtype=jnp.int32)
    terms = jax.random.randint(k2, (BATCH, SEQ), 0, NUM_TOKENS, dtype=jnp.int32)
    weights = jax.random.normal(k3, (NUM_TOKENS,), dtype=jnp.float32)
    bias = jax.random.normal(k4, (), dtype=jnp.float32)
    return {"counts": counts, "terms": terms, "weights": weights, "bias": bias}

def reference(counts, terms, weights, bias):
    # batch_weights = self.weights[terms]  (embedding-style gather)
    batch_weights = jnp.take(weights, terms, axis=0)
    # sigmoid(sum(counts.float() * batch_weights, 1) + bias)
    logits = jnp.sum(counts.astype(jnp.float32) * batch_weights, axis=1) + bias
    return jax.nn.sigmoid(logits)

if __name__ == "__main__":
    import jax
    _d = setup_inputs()
    print(jax.jit(kernel)(*tuple(_d.values())))

</pallas_src>

<mosaic_0001>
#map = affine_map<(d0, d1) -> (0, 0)>
#map1 = affine_map<(d0, d1) -> (0)>
module attributes {stable_mosaic.version = 14 : i64} {
  func.func @sc_kernel(%arg0: i32, %arg1: i32, %arg2: memref<200x16384xi32, #tpu.memory_space<hbm>>, %arg3: memref<200x16384xi32, #tpu.memory_space<hbm>>, %arg4: memref<1000xf32, #tpu.memory_space<hbm>>, %arg5: memref<16xf32, #tpu.memory_space<hbm>>, %arg6: memref<16384xf32, #tpu.memory_space<hbm>>, %arg7: memref<1000xf32, #tpu.memory_space<vmem>>, %arg8: memref<16xf32, #tpu.memory_space<vmem>>, %arg9: memref<200x128xi32, #tpu.memory_space<vmem>>, %arg10: memref<200x128xi32, #tpu.memory_space<vmem>>, %arg11: memref<200x128xi32, #tpu.memory_space<vmem>>, %arg12: memref<200x128xi32, #tpu.memory_space<vmem>>, %arg13: memref<512xf32, #tpu.memory_space<vmem>>, %arg14: memref<!tpu.dma_semaphore, #tpu.memory_space<semaphore_mem>>, %arg15: memref<!tpu.dma_semaphore, #tpu.memory_space<semaphore_mem>>) attributes {dimension_semantics = [#tpu.dimension_semantics<core_parallel>, #tpu.dimension_semantics<subcore_parallel>], iteration_bounds = array<i64: 2, 16>, scalar_prefetch = 0 : i64, scratch_operands = 9 : i64, tpu.core_type = #tpu.core_type<sc_vector_subcore>, window_params = [{transform_indices = #map}, {transform_indices = #map}, {transform_indices = #map1}, {transform_indices = #map1}, {transform_indices = #map1}]} {
    %mul3A = arith.constant 2 : i32
    %mul3A_0 = arith.muli %arg1, %mul3A : i32
    %add3A = arith.addi %mul3A_0, %arg0 : i32
    %mul3A_1 = arith.constant 512 : i32
    %mul3A_2 = arith.muli %add3A, %mul3A_1 : i32
    %add3A_3 = arith.constant 0 : i32
    %add3A_4 = arith.addi %mul3A_2, %add3A_3 : i32
    %dma_start3A = arith.constant 0 : i32
    %dma_start3A_5 = tpu.memref_slice %arg2[%dma_start3A, %add3A_4] : memref<200x16384xi32, #tpu.memory_space<hbm>> -> memref<200x128xi32, #tpu.memory_space<hbm>>
    %dma_start3A_6 = arith.constant 0 : i32
    %dma_start3A_7 = tpu.memref_slice %arg2[%dma_start3A_6, %add3A_4] : memref<200x16384xi32, #tpu.memory_space<hbm>> -> memref<200x128xi32, #tpu.memory_space<hbm>>
    tpu.enqueue_dma source(%dma_start3A_7 : memref<200x128xi32, #tpu.memory_space<hbm>>) target(%arg9 : memref<200x128xi32, #tpu.memory_space<vmem>>) target_semaphore(%arg14 : memref<!tpu.dma_semaphore, #tpu.memory_space<semaphore_mem>>)
    %dma_start3A_8 = arith.constant 0 : i32
    %dma_start3A_9 = tpu.memref_slice %arg3[%dma_start3A_8, %add3A_4] : memref<200x16384xi32, #tpu.memory_space<hbm>> -> memref<200x128xi32, #tpu.memory_space<hbm>>
    %dma_start3A_10 = arith.constant 0 : i32
    %dma_start3A_11 = tpu.memref_slice %arg3[%dma_start3A_10, %add3A_4] : memref<200x16384xi32, #tpu.memory_space<hbm>> -> memref<200x128xi32, #tpu.memory_space<hbm>>
    tpu.enqueue_dma source(%dma_start3A_11 : memref<200x128xi32, #tpu.memory_space<hbm>>) target(%arg10 : memref<200x128xi32, #tpu.memory_space<vmem>>) target_semaphore(%arg14 : memref<!tpu.dma_semaphore, #tpu.memory_space<semaphore_mem>>)
    "tpu.region"() ({
      %run_scoped3A = tpu.sem_alloc : memref<!tpu.dma_semaphore, #tpu.memory_space<semaphore_mem>>
      tpu.enqueue_dma source(%arg4 : memref<1000xf32, #tpu.memory_space<hbm>>) target(%arg7 : memref<1000xf32, #tpu.memory_space<vmem>>) target_semaphore(%run_scoped3A : memref<!tpu.dma_semaphore, #tpu.memory_space<semaphore_mem>>)
      tpu.wait_dma2 semaphore(%run_scoped3A : memref<!tpu.dma_semaphore, #tpu.memory_space<semaphore_mem>>) src(%arg4 : memref<1000xf32, #tpu.memory_space<hbm>>) dst(%arg7 : memref<1000xf32, #tpu.memory_space<vmem>>)
      tpu.yield
    }) : () -> ()
    "tpu.region"() ({
      %run_scoped3A = tpu.sem_alloc : memref<!tpu.dma_semaphore, #tpu.memory_space<semaphore_mem>>
      tpu.enqueue_dma source(%arg5 : memref<16xf32, #tpu.memory_space<hbm>>) target(%arg8 : memref<16xf32, #tpu.memory_space<vmem>>) target_semaphore(%run_scoped3A : memref<!tpu.dma_semaphore, #tpu.memory_space<semaphore_mem>>)
      tpu.wait_dma2 semaphore(%run_scoped3A : memref<!tpu.dma_semaphore, #tpu.memory_space<semaphore_mem>>) src(%arg5 : memref<16xf32, #tpu.memory_space<hbm>>) dst(%arg8 : memref<16xf32, #tpu.memory_space<vmem>>)
      tpu.yield
    }) : () -> ()
    %get3A = arith.constant 0 : index
    %get3A_12 = tpu.vector_load %arg8[%get3A] {strides = array<i32>} : memref<16xf32, #tpu.memory_space<vmem>>, vector<16xf32>,
    %broadcast_in_dim3A = arith.constant 0.000000e+00 : f32
    %broadcast_in_dim3A_13 = vector.broadcast %broadcast_in_dim3A : f32 to vector<16xf32>
    %scan3A = arith.constant 0 : i32
    %scan3A_14 = arith.constant 2 : i32
    %scan3A_15 = arith.addi %scan3A, %scan3A_14 : i32
    %scan3A_16 = arith.constant 1 : i32
    scf.for %scan3A_20 = %scan3A to %scan3A_15 step %scan3A_16  : i32 {
      %mul3A_21 = arith.constant 2 : i32
      %mul3A_22 = arith.muli %mul3A_21, %scan3A_20 : i32
      %add3A_23 = arith.constant 1 : i32
      %add3A_24 = arith.addi %mul3A_22, %add3A_23 : i32
      %mul3A_25 = arith.constant 128 : i32
      %mul3A_26 = arith.muli %add3A_24, %mul3A_25 : i32
      %add3A_27 = arith.addi %mul3A_2, %mul3A_26 : i32
      %dma_start3A_28 = arith.constant 0 : i32
      %dma_start3A_29 = tpu.memref_slice %arg2[%dma_start3A_28, %add3A_27] : memref<200x16384xi32, #tpu.memory_space<hbm>> -> memref<200x128xi32, #tpu.memory_space<hbm>>
      %dma_start3A_30 = arith.constant 0 : i32
      %dma_start3A_31 = tpu.memref_slice %arg2[%dma_start3A_30, %add3A_27] : memref<200x16384xi32, #tpu.memory_space<hbm>> -> memref<200x128xi32, #tpu.memory_space<hbm>>
      tpu.enqueue_dma source(%dma_start3A_31 : memref<200x128xi32, #tpu.memory_space<hbm>>) target(%arg11 : memref<200x128xi32, #tpu.memory_space<vmem>>) target_semaphore(%arg15 : memref<!tpu.dma_semaphore, #tpu.memory_space<semaphore_mem>>)
      %dma_start3A_32 = arith.constant 0 : i32
      %dma_start3A_33 = tpu.memref_slice %arg3[%dma_start3A_32, %add3A_27] : memref<200x16384xi32, #tpu.memory_space<hbm>> -> memref<200x128xi32, #tpu.memory_space<hbm>>
      %dma_start3A_34 = arith.constant 0 : i32
      %dma_start3A_35 = tpu.memref_slice %arg3[%dma_start3A_34, %add3A_27] : memref<200x16384xi32, #tpu.memory_space<hbm>> -> memref<200x128xi32, #tpu.memory_space<hbm>>
      tpu.enqueue_dma source(%dma_start3A_35 : memref<200x128xi32, #tpu.memory_space<hbm>>) target(%arg12 : memref<200x128xi32, #tpu.memory_space<vmem>>) target_semaphore(%arg15 : memref<!tpu.dma_semaphore, #tpu.memory_space<semaphore_mem>>)
      %dma_wait3A = arith.constant 0 : i32
      %dma_wait3A_36 = arith.constant 0 : i32
      %dma_wait3A_37 = tpu.memref_slice %arg2[%dma_wait3A, %dma_wait3A_36] : memref<200x16384xi32, #tpu.memory_space<hbm>> -> memref<200x128xi32, #tpu.memory_space<hbm>>
      %dma_wait3A_38 = arith.constant 0 : i32
      %dma_wait3A_39 = arith.constant 0 : i32
      %dma_wait3A_40 = tpu.memref_slice %arg2[%dma_wait3A_38, %dma_wait3A_39] : memref<200x16384xi32, #tpu.memory_space<hbm>> -> memref<200x128xi32, #tpu.memory_space<hbm>>
      tpu.wait_dma2 semaphore(%arg14 : memref<!tpu.dma_semaphore, #tpu.memory_space<semaphore_mem>>) src(%dma_wait3A_40 : memref<200x128xi32, #tpu.memory_space<hbm>>) dst(%arg9 : memref<200x128xi32, #tpu.memory_space<vmem>>)
      %dma_wait3A_41 = arith.constant 0 : i32
      %dma_wait3A_42 = arith.constant 0 : i32
      %dma_wait3A_43 = tpu.memref_slice %arg3[%dma_wait3A_41, %dma_wait3A_42] : memref<200x16384xi32, #tpu.memory_space<hbm>> -> memref<200x128xi32, #tpu.memory_space<hbm>>
      %dma_wait3A_44 = arith.constant 0 : i32
      %dma_wait3A_45 = arith.constant 0 : i32
      %dma_wait3A_46 = tpu.memref_slice %arg3[%dma_wait3A_44, %dma_wait3A_45] : memref<200x16384xi32, #tpu.memory_space<hbm>> -> memref<200x128xi32, #tpu.memory_space<hbm>>
      tpu.wait_dma2 semaphore(%arg14 : memref<!tpu.dma_semaphore, #tpu.memory_space<semaphore_mem>>) src(%dma_wait3A_46 : memref<200x128xi32, #tpu.memory_space<hbm>>) dst(%arg10 : memref<200x128xi32, #tpu.memory_space<vmem>>)
      %mul3A_47 = arith.constant 2 : i32
      %mul3A_48 = arith.muli %mul3A_47, %scan3A_20 : i32
      %parallel_loop3A = arith.constant 0 : i32
      %parallel_loop3A_49 = arith.constant 8 : i32
      %parallel_loop3A_50 = arith.constant 1 : i32
      scf.for %parallel_loop3A_72 = %parallel_loop3A to %parallel_loop3A_49 step %parallel_loop3A_50  : i32 {
        %parallel_loop3A_73 = arith.constant 16 : i32
        %parallel_loop3A_74 = arith.muli %parallel_loop3A_72, %parallel_loop3A_73 : i32
        %parallel_loop3A_75 = arith.constant 0 : i32
        %parallel_loop3A_76 = arith.constant 25 : i32
        %parallel_loop3A_77 = arith.addi %parallel_loop3A_75, %parallel_loop3A_76 : i32
        %parallel_loop3A_78 = arith.constant 1 : i32
        %parallel_loop3A_79:4 = scf.for %scan3A_100 = %parallel_loop3A_75 to %parallel_loop3A_77 step %parallel_loop3A_78 iter_args(%scan3A_101 = %broadcast_in_dim3A_13, %scan3A_102 = %broadcast_in_dim3A_13, %scan3A_103 = %broadcast_in_dim3A_13, %scan3A_104 = %broadcast_in_dim3A_13) -> (vector<16xf32>, vector<16xf32>, vector<16xf32>, vector<16xf32>)  : i32 {
          %parallel_loop3A_105 = arith.constant 8 : i32
          %parallel_loop3A_106 = arith.muli %scan3A_100, %parallel_loop3A_105 : i32
          %parallel_loop3A_107 = arith.constant 0 : i32
          %parallel_loop3A_108 = arith.addi %parallel_loop3A_106, %parallel_loop3A_107 : i32
          %parallel_loop3A_109 = arith.index_cast %parallel_loop3A_108 : i32 to index
          %parallel_loop3A_110 = arith.index_cast %parallel_loop3A_74 : i32 to index
          %parallel_loop3A_111 = tpu.vector_load %arg10[%parallel_loop3A_109, %parallel_loop3A_110] {strides = array<i32>} : memref<200x128xi32, #tpu.memory_space<vmem>>, vector<16xi32>,
          %parallel_loop3A_112 = arith.constant 0 : i32
          %parallel_loop3A_113 = arith.addi %parallel_loop3A_106, %parallel_loop3A_112 : i32
          %parallel_loop3A_114 = arith.index_cast %parallel_loop3A_113 : i32 to index
          %parallel_loop3A_115 = arith.index_cast %parallel_loop3A_74 : i32 to index
          %parallel_loop3A_116 = tpu.vector_load %arg9[%parallel_loop3A_114, %parallel_loop3A_115] {strides = array<i32>} : memref<200x128xi32, #tpu.memory_space<vmem>>, vector<16xi32>,
          %parallel_loop3A_117 = tpu.vector_load_idx %arg7[%parallel_loop3A_111] : memref<1000xf32, #tpu.memory_space<vmem>>[vector<16xi32>], vector<16xf32>,
          %parallel_loop3A_118 = arith.sitofp %parallel_loop3A_116 : vector<16xi32> to vector<16xf32>
          %parallel_loop3A_119 = arith.mulf %parallel_loop3A_118, %parallel_loop3A_117 : vector<16xf32>
          %parallel_loop3A_120 = arith.addf %scan3A_101, %parallel_loop3A_119 : vector<16xf32>
          %parallel_loop3A_121 = arith.constant 1 : i32
          %parallel_loop3A_122 = arith.addi %parallel_loop3A_106, %parallel_loop3A_121 : i32
          %parallel_loop3A_123 = arith.index_cast %parallel_loop3A_122 : i32 to index
          %parallel_loop3A_124 = arith.index_cast %parallel_loop3A_74 : i32 to index
          %parallel_loop3A_125 = tpu.vector_load %arg10[%parallel_loop3A_123, %parallel_loop3A_124] {strides = array<i32>} : memref<200x128xi32, #tpu.memory_space<vmem>>, vector<16xi32>,
          %parallel_loop3A_126 = arith.constant 1 : i32
          %parallel_loop3A_127 = arith.addi %parallel_loop3A_106, %parallel_loop3A_126 : i32
          %parallel_loop3A_128 = arith.index_cast %parallel_loop3A_127 : i32 to index
          %parallel_loop3A_129 = arith.index_cast %parallel_loop3A_74 : i32 to index
          %parallel_loop3A_130 = tpu.vector_load %arg9[%parallel_loop3A_128, %parallel_loop3A_129] {strides = array<i32>} : memref<200x128xi32, #tpu.memory_space<vmem>>, vector<16xi32>,
          %parallel_loop3A_131 = tpu.vector_load_idx %arg7[%parallel_loop3A_125] : memref<1000xf32, #tpu.memory_space<vmem>>[vector<16xi32>], vector<16xf32>,
          %parallel_loop3A_132 = arith.sitofp %parallel_loop3A_130 : vector<16xi32> to vector<16xf32>
          %parallel_loop3A_133 = arith.mulf %parallel_loop3A_132, %parallel_loop3A_131 : vector<16xf32>
          %parallel_loop3A_134 = arith.addf %scan3A_102, %parallel_loop3A_133 : vector<16xf32>
          %parallel_loop3A_135 = arith.constant 2 : i32
          %parallel_loop3A_136 = arith.addi %parallel_loop3A_106, %parallel_loop3A_135 : i32
          %parallel_loop3A_137 = arith.index_cast %parallel_loop3A_136 : i32 to index
          %parallel_loop3A_138 = arith.index_cast %parallel_loop3A_74 : i32 to index
          %parallel_loop3A_139 = tpu.vector_load %arg10[%parallel_loop3A_137, %parallel_loop3A_138] {strides = array<i32>} : memref<200x128xi32, #tpu.memory_space<vmem>>, vector<16xi32>,
          %parallel_loop3A_140 = arith.constant 2 : i32
          %parallel_loop3A_141 = arith.addi %parallel_loop3A_106, %parallel_loop3A_140 : i32
          %parallel_loop3A_142 = arith.index_cast %parallel_loop3A_141 : i32 to index
          %parallel_loop3A_143 = arith.index_cast %parallel_loop3A_74 : i32 to index
          %parallel_loop3A_144 = tpu.vector_load %arg9[%parallel_loop3A_142, %parallel_loop3A_143] {strides = array<i32>} : memref<200x128xi32, #tpu.memory_space<vmem>>, vector<16xi32>,
          %parallel_loop3A_145 = tpu.vector_load_idx %arg7[%parallel_loop3A_139] : memref<1000xf32, #tpu.memory_space<vmem>>[vector<16xi32>], vector<16xf32>,
          %parallel_loop3A_146 = arith.sitofp %parallel_loop3A_144 : vector<16xi32> to vector<16xf32>
          %parallel_loop3A_147 = arith.mulf %parallel_loop3A_146, %parallel_loop3A_145 : vector<16xf32>
          %parallel_loop3A_148 = arith.addf %scan3A_103, %parallel_loop3A_147 : vector<16xf32>
          %parallel_loop3A_149 = arith.constant 3 : i32
          %parallel_loop3A_150 = arith.addi %parallel_loop3A_106, %parallel_loop3A_149 : i32
          %parallel_loop3A_151 = arith.index_cast %parallel_loop3A_150 : i32 to index
          %parallel_loop3A_152 = arith.index_cast %parallel_loop3A_74 : i32 to index
          %parallel_loop3A_153 = tpu.vector_load %arg10[%parallel_loop3A_151, %parallel_loop3A_152] {strides = array<i32>} : memref<200x128xi32, #tpu.memory_space<vmem>>, vector<16xi32>,
          %parallel_loop3A_154 = arith.constant 3 : i32
          %parallel_loop3A_155 = arith.addi %parallel_loop3A_106, %parallel_loop3A_154 : i32
          %parallel_loop3A_156 = arith.index_cast %parallel_loop3A_155 : i32 to index
          %parallel_loop3A_157 = arith.index_cast %parallel_loop3A_74 : i32 to index
          %parallel_loop3A_158 = tpu.vector_load %arg9[%parallel_loop3A_156, %parallel_loop3A_157] {strides = array<i32>} : memref<200x128xi32, #tpu.memory_space<vmem>>, vector<16xi32>,
          %parallel_loop3A_159 = tpu.vector_load_idx %arg7[%parallel_loop3A_153] : memref<1000xf32, #tpu.memory_space<vmem>>[vector<16xi32>], vector<16xf32>,
          %parallel_loop3A_160 = arith.sitofp %parallel_loop3A_158 : vector<16xi32> to vector<16xf32>
          %parallel_loop3A_161 = arith.mulf %parallel_loop3A_160, %parallel_loop3A_159 : vector<16xf32>
          %parallel_loop3A_162 = arith.addf %scan3A_104, %parallel_loop3A_161 : vector<16xf32>
          %parallel_loop3A_163 = arith.constant 4 : i32
          %parallel_loop3A_164 = arith.addi %parallel_loop3A_106, %parallel_loop3A_163 : i32
          %parallel_loop3A_165 = arith.index_cast %parallel_loop3A_164 : i32 to index
          %parallel_loop3A_166 = arith.index_cast %parallel_loop3A_74 : i32 to index
          %parallel_loop3A_167 = tpu.vector_load %arg10[%parallel_loop3A_165, %parallel_loop3A_166] {strides = array<i32>} : memref<200x128xi32, #tpu.memory_space<vmem>>, vector<16xi32>,
          %parallel_loop3A_168 = arith.constant 4 : i32
          %parallel_loop3A_169 = arith.addi %parallel_loop3A_106, %parallel_loop3A_168 : i32
          %parallel_loop3A_170 = arith.index_cast %parallel_loop3A_169 : i32 to index
          %parallel_loop3A_171 = arith.index_cast %parallel_loop3A_74 : i32 to index
          %parallel_loop3A_172 = tpu.vector_load %arg9[%parallel_loop3A_170, %parallel_loop3A_171] {strides = array<i32>} : memref<200x128xi32, #tpu.memory_space<vmem>>, vector<16xi32>,
          %parallel_loop3A_173 = tpu.vector_load_idx %arg7[%parallel_loop3A_167] : memref<1000xf32, #tpu.memory_space<vmem>>[vector<16xi32>], vector<16xf32>,
          %parallel_loop3A_174 = arith.sitofp %parallel_loop3A_172 : vector<16xi32> to vector<16xf32>
          %parallel_loop3A_175 = arith.mulf %parallel_loop3A_174, %parallel_loop3A_173 : vector<16xf32>
          %parallel_loop3A_176 = arith.addf %parallel_loop3A_120, %parallel_loop3A_175 : vector<16xf32>
          %parallel_loop3A_177 = arith.constant 5 : i32
          %parallel_loop3A_178 = arith.addi %parallel_loop3A_106, %parallel_loop3A_177 : i32
          %parallel_loop3A_179 = arith.index_cast %parallel_loop3A_178 : i32 to index
          %parallel_loop3A_180 = arith.index_cast %parallel_loop3A_74 : i32 to index
          %parallel_loop3A_181 = tpu.vector_load %arg10[%parallel_loop3A_179, %parallel_loop3A_180] {strides = array<i32>} : memref<200x128xi32, #tpu.memory_space<vmem>>, vector<16xi32>,
          %parallel_loop3A_182 = arith.constant 5 : i32
          %parallel_loop3A_183 = arith.addi %parallel_loop3A_106, %parallel_loop3A_182 : i32
          %parallel_loop3A_184 = arith.index_cast %parallel_loop3A_183 : i32 to index
          %parallel_loop3A_185 = arith.index_cast %parallel_loop3A_74 : i32 to index
          %parallel_loop3A_186 = tpu.vector_load %arg9[%parallel_loop3A_184, %parallel_loop3A_185] {strides = array<i32>} : memref<200x128xi32, #tpu.memory_space<vmem>>, vector<16xi32>,
          %parallel_loop3A_187 = tpu.vector_load_idx %arg7[%parallel_loop3A_181] : memref<1000xf32, #tpu.memory_space<vmem>>[vector<16xi32>], vector<16xf32>,
          %parallel_loop3A_188 = arith.sitofp %parallel_loop3A_186 : vector<16xi32> to vector<16xf32>
          %parallel_loop3A_189 = arith.mulf %parallel_loop3A_188, %parallel_loop3A_187 : vector<16xf32>
          %parallel_loop3A_190 = arith.addf %parallel_loop3A_134, %parallel_loop3A_189 : vector<16xf32>
          %parallel_loop3A_191 = arith.constant 6 : i32
          %parallel_loop3A_192 = arith.addi %parallel_loop3A_106, %parallel_loop3A_191 : i32
          %parallel_loop3A_193 = arith.index_cast %parallel_loop3A_192 : i32 to index
          %parallel_loop3A_194 = arith.index_cast %parallel_loop3A_74 : i32 to index
          %parallel_loop3A_195 = tpu.vector_load %arg10[%parallel_loop3A_193, %parallel_loop3A_194] {strides = array<i32>} : memref<200x128xi32, #tpu.memory_space<vmem>>, vector<16xi32>,
          %parallel_loop3A_196 = arith.constant 6 : i32
          %parallel_loop3A_197 = arith.addi %parallel_loop3A_106, %parallel_loop3A_196 : i32
          %parallel_loop3A_198 = arith.index_cast %parallel_loop3A_197 : i32 to index
          %parallel_loop3A_199 = arith.index_cast %parallel_loop3A_74 : i32 to index
          %parallel_loop3A_200 = tpu.vector_load %arg9[%parallel_loop3A_198, %parallel_loop3A_199] {strides = array<i32>} : memref<200x128xi32, #tpu.memory_space<vmem>>, vector<16xi32>,
          %parallel_loop3A_201 = tpu.vector_load_idx %arg7[%parallel_loop3A_195] : memref<1000xf32, #tpu.memory_space<vmem>>[vector<16xi32>], vector<16xf32>,
          %parallel_loop3A_202 = arith.sitofp %parallel_loop3A_200 : vector<16xi32> to vector<16xf32>
          %parallel_loop3A_203 = arith.mulf %parallel_loop3A_202, %parallel_loop3A_201 : vector<16xf32>
          %parallel_loop3A_204 = arith.addf %parallel_loop3A_148, %parallel_loop3A_203 : vector<16xf32>
          %parallel_loop3A_205 = arith.constant 7 : i32
          %parallel_loop3A_206 = arith.addi %parallel_loop3A_106, %parallel_loop3A_205 : i32
          %parallel_loop3A_207 = arith.index_cast %parallel_loop3A_206 : i32 to index
          %parallel_loop3A_208 = arith.index_cast %parallel_loop3A_74 : i32 to index
          %parallel_loop3A_209 = tpu.vector_load %arg10[%parallel_loop3A_207, %parallel_loop3A_208] {strides = array<i32>} : memref<200x128xi32, #tpu.memory_space<vmem>>, vector<16xi32>,
          %parallel_loop3A_210 = arith.constant 7 : i32
          %parallel_loop3A_211 = arith.addi %parallel_loop3A_106, %parallel_loop3A_210 : i32
          %parallel_loop3A_212 = arith.index_cast %parallel_loop3A_211 : i32 to index
          %parallel_loop3A_213 = arith.index_cast %parallel_loop3A_74 : i32 to index
          %parallel_loop3A_214 = tpu.vector_load %arg9[%parallel_loop3A_212, %parallel_loop3A_213] {strides = array<i32>} : memref<200x128xi32, #tpu.memory_space<vmem>>, vector<16xi32>,
          %parallel_loop3A_215 = tpu.vector_load_idx %arg7[%parallel_loop3A_209] : memref<1000xf32, #tpu.memory_space<vmem>>[vector<16xi32>], vector<16xf32>,
          %parallel_loop3A_216 = arith.sitofp %parallel_loop3A_214 : vector<16xi32> to vector<16xf32>
          %parallel_loop3A_217 = arith.mulf %parallel_loop3A_216, %parallel_loop3A_215 : vector<16xf32>
          %parallel_loop3A_218 = arith.addf %parallel_loop3A_162, %parallel_loop3A_217 : vector<16xf32>
          scf.yield %parallel_loop3A_176, %parallel_loop3A_190, %parallel_loop3A_204, %parallel_loop3A_218 : vector<16xf32>, vector<16xf32>, vector<16xf32>, vector<16xf32>
        }
        %parallel_loop3A_80 = arith.constant 25 : i32
        %parallel_loop3A_81 = arith.addf %parallel_loop3A_79#0, %parallel_loop3A_79#1 : vector<16xf32>
        %parallel_loop3A_82 = arith.addf %parallel_loop3A_79#2, %parallel_loop3A_79#3 : vector<16xf32>
        %parallel_loop3A_83 = arith.addf %parallel_loop3A_81, %parallel_loop3A_82 : vector<16xf32>
        %parallel_loop3A_84 = arith.addf %parallel_loop3A_83, %get3A_12 : vector<16xf32>
        %parallel_loop3A_85 = arith.constant 0.000000e+00 : f32
        %parallel_loop3A_86 = vector.broadcast %parallel_loop3A_85 : f32 to vector<16xf32>
        %parallel_loop3A_87 = arith.subf %parallel_loop3A_86, %parallel_loop3A_84 : vector<16xf32>
        %parallel_loop3A_88 = math.exp %parallel_loop3A_87 : vector<16xf32>
        %parallel_loop3A_89 = arith.constant 1.000000e+00 : f32
        %parallel_loop3A_90 = vector.broadcast %parallel_loop3A_89 : f32 to vector<16xf32>
        %parallel_loop3A_91 = arith.addf %parallel_loop3A_90, %parallel_loop3A_88 : vector<16xf32>
        %parallel_loop3A_92 = arith.constant 1.000000e+00 : f32
        %parallel_loop3A_93 = vector.broadcast %parallel_loop3A_92 : f32 to vector<16xf32>
        %parallel_loop3A_94 = arith.divf %parallel_loop3A_93, %parallel_loop3A_91 : vector<16xf32>
        %parallel_loop3A_95 = arith.constant 128 : i32
        %parallel_loop3A_96 = arith.muli %mul3A_48, %parallel_loop3A_95 : i32
        %parallel_loop3A_97 = arith.addi %parallel_loop3A_96, %parallel_loop3A_74 : i32
        %parallel_loop3A_98 = arith.index_cast %parallel_loop3A_97 : i32 to index
        %parallel_loop3A_99 = tpu.vector_load %arg13[%parallel_loop3A_98] {strides = array<i32>} : memref<512xf32, #tpu.memory_space<vmem>>, vector<16xf32>,
        tpu.vector_store %arg13[%parallel_loop3A_98], %parallel_loop3A_94 {strides = array<i32>} : memref<512xf32, #tpu.memory_space<vmem>>, vector<16xf32>,
      } {sc.loop_unroll_factor = 1 : i64, sc.parallel_access}
      %lt3A = arith.constant 1 : i32
      %lt3A_51 = arith.cmpi slt, %scan3A_20, %lt3A : i32
      %convert_element_type3A = arith.extui %lt3A_51 : i1 to i32
      %cond3A = arith.constant 0 : i32
      %cond3A_52 = arith.cmpi ne, %convert_element_type3A, %cond3A : i32
      scf.if %cond3A_52 {
        %mul3A_72 = arith.constant 2 : i32
        %mul3A_73 = arith.muli %mul3A_72, %scan3A_20 : i32
        %add3A_74 = arith.constant 2 : i32
        %add3A_75 = arith.addi %mul3A_73, %add3A_74 : i32
        %mul3A_76 = arith.constant 128 : i32
        %mul3A_77 = arith.muli %add3A_75, %mul3A_76 : i32
        %add3A_78 = arith.addi %mul3A_2, %mul3A_77 : i32
        %dma_start3A_79 = arith.constant 0 : i32
        %dma_start3A_80 = tpu.memref_slice %arg2[%dma_start3A_79, %add3A_78] : memref<200x16384xi32, #tpu.memory_space<hbm>> -> memref<200x128xi32, #tpu.memory_space<hbm>>
        %dma_start3A_81 = arith.constant 0 : i32
        %dma_start3A_82 = tpu.memref_slice %arg2[%dma_start3A_81, %add3A_78] : memref<200x16384xi32, #tpu.memory_space<hbm>> -> memref<200x128xi32, #tpu.memory_space<hbm>>
        tpu.enqueue_dma source(%dma_start3A_82 : memref<200x128xi32, #tpu.memory_space<hbm>>) target(%arg9 : memref<200x128xi32, #tpu.memory_space<vmem>>) target_semaphore(%arg14 : memref<!tpu.dma_semaphore, #tpu.memory_space<semaphore_mem>>)
        %dma_start3A_83 = arith.constant 0 : i32
        %dma_start3A_84 = tpu.memref_slice %arg3[%dma_start3A_83, %add3A_78] : memref<200x16384xi32, #tpu.memory_space<hbm>> -> memref<200x128xi32, #tpu.memory_space<hbm>>
        %dma_start3A_85 = arith.constant 0 : i32
        %dma_start3A_86 = tpu.memref_slice %arg3[%dma_start3A_85, %add3A_78] : memref<200x16384xi32, #tpu.memory_space<hbm>> -> memref<200x128xi32, #tpu.memory_space<hbm>>
        tpu.enqueue_dma source(%dma_start3A_86 : memref<200x128xi32, #tpu.memory_space<hbm>>) target(%arg10 : memref<200x128xi32, #tpu.memory_space<vmem>>) target_semaphore(%arg14 : memref<!tpu.dma_semaphore, #tpu.memory_space<semaphore_mem>>)
      } else {
      }
      %dma_wait3A_53 = arith.constant 0 : i32
      %dma_wait3A_54 = arith.constant 0 : i32
      %dma_wait3A_55 = tpu.memref_slice %arg2[%dma_wait3A_53, %dma_wait3A_54] : memref<200x16384xi32, #tpu.memory_space<hbm>> -> memref<200x128xi32, #tpu.memory_space<hbm>>
      %dma_wait3A_56 = arith.constant 0 : i32
      %dma_wait3A_57 = arith.constant 0 : i32
      %dma_wait3A_58 = tpu.memref_slice %arg2[%dma_wait3A_56, %dma_wait3A_57] : memref<200x16384xi32, #tpu.memory_space<hbm>> -> memref<200x128xi32, #tpu.memory_space<hbm>>
      tpu.wait_dma2 semaphore(%arg15 : memref<!tpu.dma_semaphore, #tpu.memory_space<semaphore_mem>>) src(%dma_wait3A_58 : memref<200x128xi32, #tpu.memory_space<hbm>>) dst(%arg11 : memref<200x128xi32, #tpu.memory_space<vmem>>)
      %dma_wait3A_59 = arith.constant 0 : i32
      %dma_wait3A_60 = arith.constant 0 : i32
      %dma_wait3A_61 = tpu.memref_slice %arg3[%dma_wait3A_59, %dma_wait3A_60] : memref<200x16384xi32, #tpu.memory_space<hbm>> -> memref<200x128xi32, #tpu.memory_space<hbm>>
      %dma_wait3A_62 = arith.constant 0 : i32
      %dma_wait3A_63 = arith.constant 0 : i32
      %dma_wait3A_64 = tpu.memref_slice %arg3[%dma_wait3A_62, %dma_wait3A_63] : memref<200x16384xi32, #tpu.memory_space<hbm>> -> memref<200x128xi32, #tpu.memory_space<hbm>>
      tpu.wait_dma2 semaphore(%arg15 : memref<!tpu.dma_semaphore, #tpu.memory_space<semaphore_mem>>) src(%dma_wait3A_64 : memref<200x128xi32, #tpu.memory_space<hbm>>) dst(%arg12 : memref<200x128xi32, #tpu.memory_space<vmem>>)
      %mul3A_65 = arith.constant 2 : i32
      %mul3A_66 = arith.muli %mul3A_65, %scan3A_20 : i32
      %add3A_67 = arith.constant 1 : i32
      %add3A_68 = arith.addi %mul3A_66, %add3A_67 : i32
      %parallel_loop3A_69 = arith.constant 0 : i32
      %parallel_loop3A_70 = arith.constant 8 : i32
      %parallel_loop3A_71 = arith.constant 1 : i32
      scf.for %parallel_loop3A_72 = %parallel_loop3A_69 to %parallel_loop3A_70 step %parallel_loop3A_71  : i32 {
        %parallel_loop3A_73 = arith.constant 16 : i32
        %parallel_loop3A_74 = arith.muli %parallel_loop3A_72, %parallel_loop3A_73 : i32
        %parallel_loop3A_75 = arith.constant 0 : i32
        %parallel_loop3A_76 = arith.constant 25 : i32
        %parallel_loop3A_77 = arith.addi %parallel_loop3A_75, %parallel_loop3A_76 : i32
        %parallel_loop3A_78 = arith.constant 1 : i32
        %parallel_loop3A_79:4 = scf.for %scan3A_100 = %parallel_loop3A_75 to %parallel_loop3A_77 step %parallel_loop3A_78 iter_args(%scan3A_101 = %broadcast_in_dim3A_13, %scan3A_102 = %broadcast_in_dim3A_13, %scan3A_103 = %broadcast_in_dim3A_13, %scan3A_104 = %broadcast_in_dim3A_13) -> (vector<16xf32>, vector<16xf32>, vector<16xf32>, vector<16xf32>)  : i32 {
          %parallel_loop3A_105 = arith.constant 8 : i32
          %parallel_loop3A_106 = arith.muli %scan3A_100, %parallel_loop3A_105 : i32
          %parallel_loop3A_107 = arith.constant 0 : i32
          %parallel_loop3A_108 = arith.addi %parallel_loop3A_106, %parallel_loop3A_107 : i32
          %parallel_loop3A_109 = arith.index_cast %parallel_loop3A_108 : i32 to index
          %parallel_loop3A_110 = arith.index_cast %parallel_loop3A_74 : i32 to index
          %parallel_loop3A_111 = tpu.vector_load %arg12[%parallel_loop3A_109, %parallel_loop3A_110] {strides = array<i32>} : memref<200x128xi32, #tpu.memory_space<vmem>>, vector<16xi32>,
          %parallel_loop3A_112 = arith.constant 0 : i32
          %parallel_loop3A_113 = arith.addi %parallel_loop3A_106, %parallel_loop3A_112 : i32
          %parallel_loop3A_114 = arith.index_cast %parallel_loop3A_113 : i32 to index
          %parallel_loop3A_115 = arith.index_cast %parallel_loop3A_74 : i32 to index
          %parallel_loop3A_116 = tpu.vector_load %arg11[%parallel_loop3A_114, %parallel_loop3A_115] {strides = array<i32>} : memref<200x128xi32, #tpu.memory_space<vmem>>, vector<16xi32>,
          %parallel_loop3A_117 = tpu.vector_load_idx %arg7[%parallel_loop3A_111] : memref<1000xf32, #tpu.memory_space<vmem>>[vector<16xi32>], vector<16xf32>,
          %parallel_loop3A_118 = arith.sitofp %parallel_loop3A_116 : vector<16xi32> to vector<16xf32>
          %parallel_loop3A_119 = arith.mulf %parallel_loop3A_118, %parallel_loop3A_117 : vector<16xf32>
          %parallel_loop3A_120 = arith.addf %scan3A_101, %parallel_loop3A_119 : vector<16xf32>
          %parallel_loop3A_121 = arith.constant 1 : i32
          %parallel_loop3A_122 = arith.addi %parallel_loop3A_106, %parallel_loop3A_121 : i32
          %parallel_loop3A_123 = arith.index_cast %parallel_loop3A_122 : i32 to index
          %parallel_loop3A_124 = arith.index_cast %parallel_loop3A_74 : i32 to index
          %parallel_loop3A_125 = tpu.vector_load %arg12[%parallel_loop3A_123, %parallel_loop3A_124] {strides = array<i32>} : memref<200x128xi32, #tpu.memory_space<vmem>>, vector<16xi32>,
          %parallel_loop3A_126 = arith.constant 1 : i32
          %parallel_loop3A_127 = arith.addi %parallel_loop3A_106, %parallel_loop3A_126 : i32
          %parallel_loop3A_128 = arith.index_cast %parallel_loop3A_127 : i32 to index
          %parallel_loop3A_129 = arith.index_cast %parallel_loop3A_74 : i32 to index
          %parallel_loop3A_130 = tpu.vector_load %arg11[%parallel_loop3A_128, %parallel_loop3A_129] {strides = array<i32>} : memref<200x128xi32, #tpu.memory_space<vmem>>, vector<16xi32>,
          %parallel_loop3A_131 = tpu.vector_load_idx %arg7[%parallel_loop3A_125] : memref<1000xf32, #tpu.memory_space<vmem>>[vector<16xi32>], vector<16xf32>,
          %parallel_loop3A_132 = arith.sitofp %parallel_loop3A_130 : vector<16xi32> to vector<16xf32>
          %parallel_loop3A_133 = arith.mulf %parallel_loop3A_132, %parallel_loop3A_131 : vector<16xf32>
          %parallel_loop3A_134 = arith.addf %scan3A_102, %parallel_loop3A_133 : vector<16xf32>
          %parallel_loop3A_135 = arith.constant 2 : i32
          %parallel_loop3A_136 = arith.addi %parallel_loop3A_106, %parallel_loop3A_135 : i32
          %parallel_loop3A_137 = arith.index_cast %parallel_loop3A_136 : i32 to index
          %parallel_loop3A_138 = arith.index_cast %parallel_loop3A_74 : i32 to index
          %parallel_loop3A_139 = tpu.vector_load %arg12[%parallel_loop3A_137, %parallel_loop3A_138] {strides = array<i32>} : memref<200x128xi32, #tpu.memory_space<vmem>>, vector<16xi32>,
          %parallel_loop3A_140 = arith.constant 2 : i32
          %parallel_loop3A_141 = arith.addi %parallel_loop3A_106, %parallel_loop3A_140 : i32
          %parallel_loop3A_142 = arith.index_cast %parallel_loop3A_141 : i32 to index
          %parallel_loop3A_143 = arith.index_cast %parallel_loop3A_74 : i32 to index
          %parallel_loop3A_144 = tpu.vector_load %arg11[%parallel_loop3A_142, %parallel_loop3A_143] {strides = array<i32>} : memref<200x128xi32, #tpu.memory_space<vmem>>, vector<16xi32>,
          %parallel_loop3A_145 = tpu.vector_load_idx %arg7[%parallel_loop3A_139] : memref<1000xf32, #tpu.memory_space<vmem>>[vector<16xi32>], vector<16xf32>,
          %parallel_loop3A_146 = arith.sitofp %parallel_loop3A_144 : vector<16xi32> to vector<16xf32>
          %parallel_loop3A_147 = arith.mulf %parallel_loop3A_146, %parallel_loop3A_145 : vector<16xf32>
          %parallel_loop3A_148 = arith.addf %scan3A_103, %parallel_loop3A_147 : vector<16xf32>
          %parallel_loop3A_149 = arith.constant 3 : i32
          %parallel_loop3A_150 = arith.addi %parallel_loop3A_106, %parallel_loop3A_149 : i32
          %parallel_loop3A_151 = arith.index_cast %parallel_loop3A_150 : i32 to index
          %parallel_loop3A_152 = arith.index_cast %parallel_loop3A_74 : i32 to index
          %parallel_loop3A_153 = tpu.vector_load %arg12[%parallel_loop3A_151, %parallel_loop3A_152] {strides = array<i32>} : memref<200x128xi32, #tpu.memory_space<vmem>>, vector<16xi32>,
          %parallel_loop3A_154 = arith.constant 3 : i32
          %parallel_loop3A_155 = arith.addi %parallel_loop3A_106, %parallel_loop3A_154 : i32
          %parallel_loop3A_156 = arith.index_cast %parallel_loop3A_155 : i32 to index
          %parallel_loop3A_157 = arith.index_cast %parallel_loop3A_74 : i32 to index
          %parallel_loop3A_158 = tpu.vector_load %arg11[%parallel_loop3A_156, %parallel_loop3A_157] {strides = array<i32>} : memref<200x128xi32, #tpu.memory_space<vmem>>, vector<16xi32>,
          %parallel_loop3A_159 = tpu.vector_load_idx %arg7[%parallel_loop3A_153] : memref<1000xf32, #tpu.memory_space<vmem>>[vector<16xi32>], vector<16xf32>,
          %parallel_loop3A_160 = arith.sitofp %parallel_loop3A_158 : vector<16xi32> to vector<16xf32>
          %parallel_loop3A_161 = arith.mulf %parallel_loop3A_160, %parallel_loop3A_159 : vector<16xf32>
          %parallel_loop3A_162 = arith.addf %scan3A_104, %parallel_loop3A_161 : vector<16xf32>
          %parallel_loop3A_163 = arith.constant 4 : i32
          %parallel_loop3A_164 = arith.addi %parallel_loop3A_106, %parallel_loop3A_163 : i32
          %parallel_loop3A_165 = arith.index_cast %parallel_loop3A_164 : i32 to index
          %parallel_loop3A_166 = arith.index_cast %parallel_loop3A_74 : i32 to index
          %parallel_loop3A_167 = tpu.vector_load %arg12[%parallel_loop3A_165, %parallel_loop3A_166] {strides = array<i32>} : memref<200x128xi32, #tpu.memory_space<vmem>>, vector<16xi32>,
          %parallel_loop3A_168 = arith.constant 4 : i32
          %parallel_loop3A_169 = arith.addi %parallel_loop3A_106, %parallel_loop3A_168 : i32
          %parallel_loop3A_170 = arith.index_cast %parallel_loop3A_169 : i32 to index
          %parallel_loop3A_171 = arith.index_cast %parallel_loop3A_74 : i32 to index
          %parallel_loop3A_172 = tpu.vector_load %arg11[%parallel_loop3A_170, %parallel_loop3A_171] {strides = array<i32>} : memref<200x128xi32, #tpu.memory_space<vmem>>, vector<16xi32>,
          %parallel_loop3A_173 = tpu.vector_load_idx %arg7[%parallel_loop3A_167] : memref<1000xf32, #tpu.memory_space<vmem>>[vector<16xi32>], vector<16xf32>,
          %parallel_loop3A_174 = arith.sitofp %parallel_loop3A_172 : vector<16xi32> to vector<16xf32>
          %parallel_loop3A_175 = arith.mulf %parallel_loop3A_174, %parallel_loop3A_173 : vector<16xf32>
          %parallel_loop3A_176 = arith.addf %parallel_loop3A_120, %parallel_loop3A_175 : vector<16xf32>
          %parallel_loop3A_177 = arith.constant 5 : i32
          %parallel_loop3A_178 = arith.addi %parallel_loop3A_106, %parallel_loop3A_177 : i32
          %parallel_loop3A_179 = arith.index_cast %parallel_loop3A_178 : i32 to index
          %parallel_loop3A_180 = arith.index_cast %parallel_loop3A_74 : i32 to index
          %parallel_loop3A_181 = tpu.vector_load %arg12[%parallel_loop3A_179, %parallel_loop3A_180] {strides = array<i32>} : memref<200x128xi32, #tpu.memory_space<vmem>>, vector<16xi32>,
          %parallel_loop3A_182 = arith.constant 5 : i32
          %parallel_loop3A_183 = arith.addi %parallel_loop3A_106, %parallel_loop3A_182 : i32
          %parallel_loop3A_184 = arith.index_cast %parallel_loop3A_183 : i32 to index
          %parallel_loop3A_185 = arith.index_cast %parallel_loop3A_74 : i32 to index
          %parallel_loop3A_186 = tpu.vector_load %arg11[%parallel_loop3A_184, %parallel_loop3A_185] {strides = array<i32>} : memref<200x128xi32, #tpu.memory_space<vmem>>, vector<16xi32>,
          %parallel_loop3A_187 = tpu.vector_load_idx %arg7[%parallel_loop3A_181] : memref<1000xf32, #tpu.memory_space<vmem>>[vector<16xi32>], vector<16xf32>,
          %parallel_loop3A_188 = arith.sitofp %parallel_loop3A_186 : vector<16xi32> to vector<16xf32>
          %parallel_loop3A_189 = arith.mulf %parallel_loop3A_188, %parallel_loop3A_187 : vector<16xf32>
          %parallel_loop3A_190 = arith.addf %parallel_loop3A_134, %parallel_loop3A_189 : vector<16xf32>
          %parallel_loop3A_191 = arith.constant 6 : i32
          %parallel_loop3A_192 = arith.addi %parallel_loop3A_106, %parallel_loop3A_191 : i32
          %parallel_loop3A_193 = arith.index_cast %parallel_loop3A_192 : i32 to index
          %parallel_loop3A_194 = arith.index_cast %parallel_loop3A_74 : i32 to index
          %parallel_loop3A_195 = tpu.vector_load %arg12[%parallel_loop3A_193, %parallel_loop3A_194] {strides = array<i32>} : memref<200x128xi32, #tpu.memory_space<vmem>>, vector<16xi32>,
          %parallel_loop3A_196 = arith.constant 6 : i32
          %parallel_loop3A_197 = arith.addi %parallel_loop3A_106, %parallel_loop3A_196 : i32
          %parallel_loop3A_198 = arith.index_cast %parallel_loop3A_197 : i32 to index
          %parallel_loop3A_199 = arith.index_cast %parallel_loop3A_74 : i32 to index
          %parallel_loop3A_200 = tpu.vector_load %arg11[%parallel_loop3A_198, %parallel_loop3A_199] {strides = array<i32>} : memref<200x128xi32, #tpu.memory_space<vmem>>, vector<16xi32>,
          %parallel_loop3A_201 = tpu.vector_load_idx %arg7[%parallel_loop3A_195] : memref<1000xf32, #tpu.memory_space<vmem>>[vector<16xi32>], vector<16xf32>,
          %parallel_loop3A_202 = arith.sitofp %parallel_loop3A_200 : vector<16xi32> to vector<16xf32>
          %parallel_loop3A_203 = arith.mulf %parallel_loop3A_202, %parallel_loop3A_201 : vector<16xf32>
          %parallel_loop3A_204 = arith.addf %parallel_loop3A_148, %parallel_loop3A_203 : vector<16xf32>
          %parallel_loop3A_205 = arith.constant 7 : i32
          %parallel_loop3A_206 = arith.addi %parallel_loop3A_106, %parallel_loop3A_205 : i32
          %parallel_loop3A_207 = arith.index_cast %parallel_loop3A_206 : i32 to index
          %parallel_loop3A_208 = arith.index_cast %parallel_loop3A_74 : i32 to index
          %parallel_loop3A_209 = tpu.vector_load %arg12[%parallel_loop3A_207, %parallel_loop3A_208] {strides = array<i32>} : memref<200x128xi32, #tpu.memory_space<vmem>>, vector<16xi32>,
          %parallel_loop3A_210 = arith.constant 7 : i32
          %parallel_loop3A_211 = arith.addi %parallel_loop3A_106, %parallel_loop3A_210 : i32
          %parallel_loop3A_212 = arith.index_cast %parallel_loop3A_211 : i32 to index
          %parallel_loop3A_213 = arith.index_cast %parallel_loop3A_74 : i32 to index
          %parallel_loop3A_214 = tpu.vector_load %arg11[%parallel_loop3A_212, %parallel_loop3A_213] {strides = array<i32>} : memref<200x128xi32, #tpu.memory_space<vmem>>, vector<16xi32>,
          %parallel_loop3A_215 = tpu.vector_load_idx %arg7[%parallel_loop3A_209] : memref<1000xf32, #tpu.memory_space<vmem>>[vector<16xi32>], vector<16xf32>,
          %parallel_loop3A_216 = arith.sitofp %parallel_loop3A_214 : vector<16xi32> to vector<16xf32>
          %parallel_loop3A_217 = arith.mulf %parallel_loop3A_216, %parallel_loop3A_215 : vector<16xf32>
          %parallel_loop3A_218 = arith.addf %parallel_loop3A_162, %parallel_loop3A_217 : vector<16xf32>
          scf.yield %parallel_loop3A_176, %parallel_loop3A_190, %parallel_loop3A_204, %parallel_loop3A_218 : vector<16xf32>, vector<16xf32>, vector<16xf32>, vector<16xf32>
        }
        %parallel_loop3A_80 = arith.constant 25 : i32
        %parallel_loop3A_81 = arith.addf %parallel_loop3A_79#0, %parallel_loop3A_79#1 : vector<16xf32>
        %parallel_loop3A_82 = arith.addf %parallel_loop3A_79#2, %parallel_loop3A_79#3 : vector<16xf32>
        %parallel_loop3A_83 = arith.addf %parallel_loop3A_81, %parallel_loop3A_82 : vector<16xf32>
        %parallel_loop3A_84 = arith.addf %parallel_loop3A_83, %get3A_12 : vector<16xf32>
        %parallel_loop3A_85 = arith.constant 0.000000e+00 : f32
        %parallel_loop3A_86 = vector.broadcast %parallel_loop3A_85 : f32 to vector<16xf32>
        %parallel_loop3A_87 = arith.subf %parallel_loop3A_86, %parallel_loop3A_84 : vector<16xf32>
        %parallel_loop3A_88 = math.exp %parallel_loop3A_87 : vector<16xf32>
        %parallel_loop3A_89 = arith.constant 1.000000e+00 : f32
        %parallel_loop3A_90 = vector.broadcast %parallel_loop3A_89 : f32 to vector<16xf32>
        %parallel_loop3A_91 = arith.addf %parallel_loop3A_90, %parallel_loop3A_88 : vector<16xf32>
        %parallel_loop3A_92 = arith.constant 1.000000e+00 : f32
        %parallel_loop3A_93 = vector.broadcast %parallel_loop3A_92 : f32 to vector<16xf32>
        %parallel_loop3A_94 = arith.divf %parallel_loop3A_93, %parallel_loop3A_91 : vector<16xf32>
        %parallel_loop3A_95 = arith.constant 128 : i32
        %parallel_loop3A_96 = arith.muli %add3A_68, %parallel_loop3A_95 : i32
        %parallel_loop3A_97 = arith.addi %parallel_loop3A_96, %parallel_loop3A_74 : i32
        %parallel_loop3A_98 = arith.index_cast %parallel_loop3A_97 : i32 to index
        %parallel_loop3A_99 = tpu.vector_load %arg13[%parallel_loop3A_98] {strides = array<i32>} : memref<512xf32, #tpu.memory_space<vmem>>, vector<16xf32>,
        tpu.vector_store %arg13[%parallel_loop3A_98], %parallel_loop3A_94 {strides = array<i32>} : memref<512xf32, #tpu.memory_space<vmem>>, vector<16xf32>,
      } {sc.loop_unroll_factor = 1 : i64, sc.parallel_access}
    }
    %scan3A_17 = arith.constant 2 : i32
    %mul3A_18 = arith.constant 512 : i32
    %mul3A_19 = arith.muli %add3A, %mul3A_18 : i32
    "tpu.region"() ({
      %run_scoped3A = tpu.sem_alloc : memref<!tpu.dma_semaphore, #tpu.memory_space<semaphore_mem>>
      %dma_start3A_20 = tpu.memref_slice %arg6[%mul3A_19] : memref<16384xf32, #tpu.memory_space<hbm>> -> memref<512xf32, #tpu.memory_space<hbm>>
      %dma_start3A_21 = tpu.memref_slice %arg6[%mul3A_19] : memref<16384xf32, #tpu.memory_space<hbm>> -> memref<512xf32, #tpu.memory_space<hbm>>
      tpu.enqueue_dma source(%arg13 : memref<512xf32, #tpu.memory_space<vmem>>) target(%dma_start3A_21 : memref<512xf32, #tpu.memory_space<hbm>>) target_semaphore(%run_scoped3A : memref<!tpu.dma_semaphore, #tpu.memory_space<semaphore_mem>>)
      %dma_wait3A = tpu.memref_slice %arg6[%mul3A_19] : memref<16384xf32, #tpu.memory_space<hbm>> -> memref<512xf32, #tpu.memory_space<hbm>>
      %dma_wait3A_22 = tpu.memref_slice %arg6[%mul3A_19] : memref<16384xf32, #tpu.memory_space<hbm>> -> memref<512xf32, #tpu.memory_space<hbm>>
      tpu.wait_dma2 semaphore(%run_scoped3A : memref<!tpu.dma_semaphore, #tpu.memory_space<semaphore_mem>>) src(%arg13 : memref<512xf32, #tpu.memory_space<vmem>>) dst(%dma_wait3A_22 : memref<512xf32, #tpu.memory_space<hbm>>)
      tpu.yield
    }) : () -> ()
    return
  }
}

</mosaic_0001>

<sc_bundles>
// kernel: kernel.3.cloned.1.call-start
scs
__scs_entry_jumppad:
0x0: {  	(pc) =	sbr.rel $0x88, $3  }
0x1: {  	(tag) =	ssettag $0x0;
	lr =	simm.s32 $0x1  }
0x2: {  	[smem:$0x3F9D] =	sst lr;
	_ =	strace $0xD0000000  }
0x3: {  	_ = 	snop  }
0x4: {  	_ = 	snop  }
0x5: {  	_ = 	snop  }
0x6: {  	_ = 	snop  }
0x7: {  	_ = 	snop  }
__scs_overlays_trampoline_lowered:
0x8: {  	[smem:$0x3FAC] =	sst s0  }
0x9: {  	[smem:$0x3FAD] =	sst s1  }
0xa: {  	[smem:$0x3FAE] =	sst s2  }
0xb: {  	[smem:$0x3FAF] =	sst s3  }
0xc: {  	[smem:$0x3FB0] =	sst s4  }
0xd: {  	[smem:$0x3FB1] =	sst s5  }
0xe: {  	[smem:$0x3FB2] =	sst s6  }
0xf: {  	[smem:$0x3FB3] =	sst s7  }
0x10: {  	[smem:$0x3FB4] =	sst s8  }
0x11: {  	[smem:$0x3FB5] =	sst s9;
	s0 =	simm.s32 @!p0 $0x0  }
0x12: {  	s1 =	sld [smem:$0x3F9B];
	s0 =	simm.s32 @p0 $0x1  }
0x13: {  	[smem:$0x3FB6] =	sst s0;
	s0 =	simm.s32 @!p1 $0x0  }
0x14: {  	s2 =	sld [smem:$0x3F9A];
	s0 =	simm.s32 @p1 $0x1  }
0x15: {  	[smem:$0x3FB7] =	sst s0;
	s0 =	simm.s32 @!p2 $0x0  }
0x16: {  	s3 =	sld [smem:$0x3FDB];
	s0 =	simm.s32 @p2 $0x1  }
0x17: {  	s4 =	simm.s32 $0x1BF5;
	[smem:$0x3FB9] =	sst s0  }
0x18: {  	s0 =	sld [smem:$0x3F9C];
	_ =	swait.ge [sflag:s4], $0x0  }
0x19: {  	s7 =	sld [smem:$0x3F9D]  }
0x1a: {  	s8 =	sadd.s32 $0xFFFFE003, lr  }
0x1b: {  	s9 =	sadd.s32 $0xFFFFFEF7, lr;
	s5 =	simm.s32 $0xFFFFFFFF;
	p2 =	slt.u32 s8, $0xFFFFF086  }
0x1c: {  	p1 =	slt.u32 s9, $0xF7A;
	s5 =	simm.s32 @!p2 $0x0  }
0x1d: {  	s5 =	simm.s32 @p1 $0x1;
	p0 =	seq.s32 s7, s2  }
0x1e: {  	s7 =	smul.u32 @!p0 $0xF7A, s2;
	p2 =	seq.s32 @!p0 s5, $0x0  }
0x1f: {  	s9 =	smul.u32 $0xF7A, s1;
	s8 =	simm.s32 @!p0 $0x1BF5;
	p2 =	por !p2, p0  }
0x20: {  	[sflag:s8] =	ssyncset.s32 @!p0 $0xFFFFF086;
	s6 =	sadd.s32 @!p0 s3, s7;
	s7 =	simm.s32 @!p0 $0x108  }
0x21: {  	s3 =	sadd.s32 s3, s9;
	s6 =	sadd.s32 @!p0 $0x88, s6;
	s7 =	simm.s32 @p2 $0x1082  }
0x22: {  	[simem:s7], [sflag:s8] =	dma.local @!p0 [hbm:s6], $0xF7A  }
0x23: {  	s9 =	sor.u32 $0xD0000000, s2;
	s6 =	simm.s32 $0x108;
	_ =	swait.ge @!p0 [sflag:s8], $0x0  }
0x24: {  	s3 =	sadd.s32 $0x88, s3;
	s6 =	simm.s32 @!p1 $0x1082;
	[sflag:s4] =	ssyncset.s32 $0xFFFFF086  }
0x25: {  	[simem:s6], [sflag:s4] =	dma.local [hbm:s3], $0xF7A  }
0x26: {  	[smem:$0x3F9D] =	sst s1;
	(tag) =	ssettag s2;
	_ =	strace s9  }
0x27: {  	s1 =	sld [smem:$0x3FAD]  }
0x28: {  	s2 =	sld [smem:$0x3FAE]  }
0x29: {  	s4 =	sld [smem:$0x3FB0]  }
0x2a: {  	p0 =	seq.s32 s5, $0x0;
	s5 =	sld [smem:$0x3FB1]  }
0x2b: {  	s6 =	sld [smem:$0x3FB2]  }
0x2c: {  	s7 =	sld [smem:$0x3FB3]  }
0x2d: {  	s3 =	simm.s32 $0x108;
	s8 =	sld [smem:$0x3FB4]  }
0x2e: {  	s3 =	simm.s32 @!p0 $0x1082;
	s9 =	sld [smem:$0x3FB5]  }
0x2f: {  	lr =	sadd.s32 s0, s3;
	s0 =	sld [smem:$0x3FAC]  }
0x30: {  	s3 =	sld [smem:$0x3FAF]  }
0x31: {  	[smem:$0x3FB8] =	sst s10  }
0x32: {  	s10 =	sld [smem:$0x3FB6];
	_ =	sdelay $0x3  }
0x33: {  	p0 =	seq.s32 s10, $0x1;
	s10 =	sld [smem:$0x3FB8];
	_ =	sdelay $0x3  }
0x34: {  	[smem:$0x3FB8] =	sst s10  }
0x35: {  	s10 =	sld [smem:$0x3FB7];
	_ =	sdelay $0x3  }
0x36: {  	p1 =	seq.s32 s10, $0x1;
	s10 =	sld [smem:$0x3FB8];
	_ =	sdelay $0x3  }
0x37: {  	[smem:$0x3FB8] =	sst s10  }
0x38: {  	s10 =	sld [smem:$0x3FB9]  }
0x39: {  	_ = 	snop;
	(pc) =	sbr.ind lr, $3  }
0x3a: {  	_ = 	snop  }
0x3b: {  	_ = 	snop  }
0x3c: {  	p2 =	seq.s32 s10, $0x1;
	s10 =	sld [smem:$0x3FB8]  }
0x3d: {  	_ =	shalt  }
0x3e: {  	_ =	shalt  }
0x3f: {  	_ =	shalt  }
0x40: {  	_ =	shalt  }
0x41: {  	_ =	shalt  }
0x42: {  	_ =	shalt  }
0x43: {  	_ =	shalt  }
0x44: {  	_ =	shalt  }
0x45: {  	_ =	shalt  }
0x46: {  	_ =	shalt  }
0x47: {  	_ =	shalt  }
0x48: {  	_ =	shalt  }
0x49: {  	_ =	shalt  }
0x4a: {  	_ =	shalt  }
0x4b: {  	_ =	shalt  }
0x4c: {  	_ =	shalt  }
0x4d: {  	_ =	shalt  }
0x4e: {  	_ =	shalt  }
0x4f: {  	_ =	shalt  }
0x50: {  	_ =	shalt  }
0x51: {  	_ =	shalt  }
0x52: {  	_ =	shalt  }
0x53: {  	_ =	shalt  }
0x54: {  	_ =	shalt  }
0x55: {  	_ =	shalt  }
0x56: {  	_ =	shalt  }
0x57: {  	_ =	shalt  }
0x58: {  	_ =	shalt  }
0x59: {  	_ =	shalt  }
0x5a: {  	_ =	shalt  }
0x5b: {  	_ =	shalt  }
0x5c: {  	_ =	shalt  }
0x5d: {  	_ =	shalt  }
0x5e: {  	_ =	shalt  }
0x5f: {  	_ =	shalt  }
0x60: {  	_ =	shalt  }
0x61: {  	_ =	shalt  }
0x62: {  	_ =	shalt  }
0x63: {  	_ =	shalt  }
0x64: {  	_ =	shalt  }
0x65: {  	_ =	shalt  }
0x66: {  	_ =	shalt  }
0x67: {  	_ =	shalt  }
0x68: {  	_ =	shalt  }
0x69: {  	_ =	shalt  }
0x6a: {  	_ =	shalt  }
0x6b: {  	_ =	shalt  }
0x6c: {  	_ =	shalt  }
0x6d: {  	_ =	shalt  }
0x6e: {  	_ =	shalt  }
0x6f: {  	_ =	shalt  }
0x70: {  	_ =	shalt  }
0x71: {  	_ =	shalt  }
0x72: {  	_ =	shalt  }
0x73: {  	_ =	shalt  }
0x74: {  	_ =	shalt  }
0x75: {  	_ =	shalt  }
0x76: {  	_ =	shalt  }
0x77: {  	_ =	shalt  }
0x78: {  	_ =	shalt  }
0x79: {  	_ =	shalt  }
0x7a: {  	_ =	shalt  }
0x7b: {  	_ =	shalt  }
0x7c: {  	_ =	shalt  }
0x7d: {  	_ =	shalt  }
0x7e: {  	_ =	shalt  }
0x7f: {  	_ =	shalt  }
0x80: {  	_ =	shalt  }
0x81: {  	_ =	shalt  }
0x82: {  	_ =	shalt  }
0x83: {  	_ =	shalt  }
0x84: {  	_ =	shalt  }
0x85: {  	_ =	shalt  }
0x86: {  	_ =	shalt  }
0x87: {  	_ =	shalt  }
.Lfunc_end0:
.L_simem_size_0:
called_computation_lowered:
.L_overlay_start_0:
0x88: {  	s2 =	sld [smem:$0x3FD9]  }
0x89: {  	s3 =	sld [smem:$0x3FFE];
	_ =	sdelay $0x1  }
0x8a: {  	s1 =	srdreg.scid  }
0x8b: {  	s0 =	sand.u32 $0x1, s1  }
0x8c: {  	s17 =	sshll.u32 s0, $0xA;
	s2 =	sadd.s32 s3, s2  }
0x8d: {  	s2 =	sadd.s32 s2, s17  }
0x8e: {  	[smem:$0x3FC4] =	sst s2  }
0x8f: {  	_ = 	snop  }
0x90: {  	s2 =	sld [smem:$0x3FC9]  }
0x91: {  	s18 =	sld [smem:$0x3FC8]  }
0x92: {  	s4 =	sld [smem:$0x3FC7]  }
0x93: {  	s5 =	sld [smem:$0x3FD0];
	(tm) =	ssettm $0x1  }
0x94: {  	s6 =	sld [smem:$0x3FFB];
	_ =	sdelay $0x3  }
0x95: {  	_ =	strace s6  }
0x96: {  	s6 =	sld [smem:$0x3FFC];
	_ =	sdelay $0x3  }
0x97: {  	_ =	strace s6  }
0x98: {  	s6 =	sld [smem:$0x3FFD];
	_ =	sdelay $0x3  }
0x99: {  	_ =	strace s6  }
0x9a: {  	_ =	strace $0x8FFFFFFF  }
0x9b: {  	s19 =	sld [smem:$0x3FDB];
	_ =	sdelay $0x1  }
0x9c: {  	s7 =	simm.s32 $_scs_section_size  }
0x9d: {  	s8 =	simm.s32 $_size__tile_overlayer_lowered;
	s9 =	simm.s32 $_tile_overlayer_lowered  }
0x9e: {  	s22 =	simm.s32 $0x1BFF;
	s21 =	sshll.u32 s9, $0x1;
	s6 =	sadd.s32 s7, s19  }
0x9f: {  	s10 =	simm.s32 $0x0;
	s20 =	sshll.u32 s8, $0x1;
	s8 =	sadd.s32 s21, s6  }
0xa0: {  	[timem:s10], [sflag:s22] =	dma.local [hbm:s8], s20  }
0xa1: {  	_ =	swait.ge [sflag:s22], s20  }
0xa2: {  	s7 =	ssub.s32 $0x0, s20;
	[sflag:s22] =	ssyncset.done $0x0  }
0xa3: {  	[sflag:s22] =	ssyncadd.s32 s7;
	_ =	sdelay $0x1  }
0xa4: {  	s23 =	simm.s32 $0x1B8B  }
0xa5: {  	_ =	swait.ge [sflag:s23], $0x1  }
0xa6: {  	[sflag:s23] =	ssyncset.done $0x0  }
0xa7: {  	s25 =	simm.s32 $0x1B8E;
	s24 =	sld [smem:$0x3FFE];
	[sflag:s23] =	ssyncadd.s32 $0xFFFFFFFF  }
0xa8: {  	s26 =	simm.s32 $execute0_lowered;
	[smem:$0x3FD2] =	sst s25  }
0xa9: {  	s8 =	sshll.u32 s26, $0x1;
	_ =	strace $0x80000046;
	[dreg:$0x1] =	wrdreg $0xFFFFFFFF  }
0xaa: {  	s28 =	simm.s32 $_size_execute0_lowered;
	s6 =	sadd.s32 s6, s8;
	[dreg:$0x0] =	wrdreg $0x0  }
0xab: {  	s8 =	sshll.u32 s28, $0x1;
	[dreg:$0x2] =	wrdreg s6  }
0xac: {  	[dreg:$0x3] =	wrdreg s8  }
0xad: {  	[dreg:$0x4] =	wrdreg $0xC0  }
0xae: {  	_ =	task [dreg:s10], $0x5FFFF  }
0xaf: {  	[dreg:$0x1] =	wrdreg $0xFFFFFFFF  }
0xb0: {  	[dreg:$0x0] =	wrdreg $0x60  }
0xb1: {  	[dreg:$0x2] =	wrdreg s2  }
0xb2: {  	[dreg:$0x3] =	wrdreg s18  }
0xb3: {  	[dreg:$0x4] =	wrdreg s4  }
0xb4: {  	[dreg:$0x5] =	wrdreg s24  }
0xb5: {  	[dreg:$0x6] =	wrdreg s5  }
0xb6: {  	[dreg:$0x7] =	wrdreg $0x9  }
0xb7: {  	_ =	task.clear_ibuf [dreg:s10], $0x8FFFF;
	_ =	strace $0x90000046  }
0xb8: {  	s29 =	simm.s32 $0x9;
	_ =	strace $0x80000048  }
0xb9: {  	_ =	swait.ge [sflag:s29], $0x1  }
0xba: {  	[sflag:s29] =	ssyncadd.s32 $0xFFFFFFFF  }
0xbb: {  	_ =	strace $0x90000048  }
0xbc: {  	_ =	sfence  }
0xbd: {  	s30 =	sld [smem:$0x0];
	_ =	sdelay $0x2  }
0xbe: {  	s31 =	sshll.u32 s1, $0xD;
	s1 =	sshrl.u32 s1, $0x2  }
0xbf: {  	s3 =	sand.u32 $0x4000, s31;
	s1 =	sadd.s32 s1, s30  }
0xc0: {  	s0 =	sor.u32 s3, s0;
	s1 =	sshll.u32 s1, $0x11  }
0xc1: {  	s0 =	sor.u32 s1, s0  }
0xc2: {  	s0 =	sadd.s32 $0x8F2B, s0  }
0xc3: {  	[sflag:s0] =	ssyncadd.remote.s32 $0x1  }
0xc4: {  	_ =	sfence.sel $0xFFFF  }
0xc5: {  	[dreg:$0x0] =	wrdreg $0xFFFFFFFF;
	(pc) =	sbr.abs _section_cstart, $3  }
0xc6: {  	[dreg:$0x1] =	wrdreg $0xFFFFFFFF  }
0xc7: {  	_ =	task.clear_ibuf [dreg:s10], $0x2FFFF;
	_ =	strace $0x9FFFFFFF  }
0xc8: {  	(tm) =	ssettm $0x7FFFFFFF  }
0xc9: {  	_ =	shalt  }
tec
execute0_lowered:
.L_overlay_start_1:
0x0: {  	(tag) =	ssettag $0x1  }
0x1: {  	s1 =	rddreg [dreg:$0x0]  }
0x2: {  	s2 =	rddreg [dreg:$0x1]  }
0x3: {  	s3 =	rddreg [dreg:$0x2]  }
0x4: {  	s0 =	rddreg [dreg:$0x3]  }
0x5: {  	s11 =	rddreg [dreg:$0x4]  }
0x6: {  	s5 =	simm.s32 $0x0;
	s6 =	srdreg.scid;
	s4 =	stileid.u32  }
0x7: {  	s13 =	simm.s32 $0x400;
	s14 =	simm.s32 $0x20000;
	s15 =	simm.s32 $0x480  }
0x8: {  	s16 =	simm.s32 $0x6880;
	s17 =	simm.s32 $0x3;
	s18 =	simm.s32 $0xCC80  }
0x9: {  	s19 =	simm.s32 $0x13080;
	s20 =	simm.s32 $0x1;
	s21 =	simm.s32 $0x2  }
0xa: {  	s22 =	simm.s32 $0x19480;
	s23 =	simm.s32 $0x0;
	s6 =	sand.u32 $0x1, s6  }
0xb: {  	[smem:$0x7FF] =	sst s5;
	s7 =	sshll.u32 s4, $0xA;
	s8 =	ssub.s32 $0x2, s6  }
0xc: {  	_ =	strace $0x80000047;
	s9 =	sshll.u32 s6, $0x9;
	s31 =	sshrl.u32 s8, $0x1  }
0xd: {  	s6 =	sadd.s32 $0x400, s0;
	s7 =	sor.u32 s9, s7;
	s0 =	ssub.s32 s8, s31  }
0xe: {  	s8 =	sadd.s32 s1, s7;
	s12 =	sshrl.u32 s7, $0x3;
	s9 =	sadd.s32 s2, s7  }
0xf: {  	s10 =	sor.u32 $0x100, s7;
	s11 =	sadd.s32 s11, s12;
	s12 =	smax.u32 s0, $0x1  }
.LBB2_1:
0x10: {  	[tilespmem:s15], [sflag:$0x1] =	stream.strided.gather [hbm4b:s8+s13], $0x6400, s14, s13, $0x38;
	[tilespmem:$0x19680] =	vst v63  }
0x11: {  	_ = 	snop  }
0x12: {  	[tilespmem:s16], [sflag:$0x1] =	stream.strided.gather [hbm4b:s9+s13], $0x6400, s14, s13, $0x38;
	[tilespmem:$0x19680] =	vst v63  }
0x13: {  	_ = 	snop  }
0x14: {  	[tilespmem:s5], [sflag:$0x3] =	stream.linear.gather [hbm4b:s3+s5], $0x400, $0x38;
	[tilespmem:$0x19680] =	vst v63  }
0x15: {  	_ =	swait.ge [sflag:s17], $0x400  }
0x16: {  	[sflag:s17] =	ssyncset.done $0x0  }
0x17: {  	[sflag:s17] =	ssyncadd.s32 $0xFFFFFC00  }
0x18: {  	[tilespmem:s13], [sflag:$0x3] =	stream.linear.gather [hbm4b:s6+s5], $0x80, $0x38;
	[tilespmem:$0x19680] =	vst v63  }
0x19: {  	_ =	swait.ge [sflag:s17], $0x80  }
0x1a: {  	[sflag:s17] =	ssyncset.done $0x0  }
0x1b: {  	[sflag:s17] =	ssyncadd.s32 $0xFFFFFF80  }
0x1c: {  	p2 =	por $0x1, $0x1;
	p1 =	por $0x0, $0x0;
	s0 =	simm.s32 $0x0;
	v0 =	vld [tilespmem:$0x400]  }
.LBB2_2:
0x1d: {  	s25 =	sshll.u32 s0, $0x8  }
0x1e: {  	s24 =	sor.u32 $0x80, s25  }
0x1f: {  	s30 =	sor.u32 s7, s24  }
0x20: {  	s26 =	sadd.s32 s1, s30  }
0x21: {  	[tilespmem:s18], [sflag:$0x2] =	stream.strided.gather [hbm4b:s26+s13], $0x6400, s14, s13, $0x38;
	[tilespmem:$0x19680] =	vst v63  }
0x22: {  	s0 =	sadd.s32 s2, s30  }
0x23: {  	[tilespmem:s19], [sflag:$0x2] =	stream.strided.gather [hbm4b:s0+s13], $0x6400, s14, s13, $0x38;
	[tilespmem:$0x19680] =	vst v63  }
0x24: {  	_ =	swait.ge [sflag:s20], $0x6400  }
0x25: {  	[sflag:s20] =	ssyncset.done $0x0  }
0x26: {  	[sflag:s20] =	ssyncadd.s32 $0xFFFF9C00  }
0x27: {  	p0 =	por p2, p2;
	s31 =	sand.u32 $0x3FFFFF00, s25;
	_ =	swait.ge [sflag:s20], $0x6400  }
0x28: {  	s28 =	simm.s32 $0x680;
	s0 =	sadd.s32 $0x19480, s31;
	[sflag:s20] =	ssyncset.done $0x0  }
0x29: {  	s29 =	simm.s32 $0x6880;
	s26 =	simm.s32 $0x0;
	v1 =	vmov s0;
	[sflag:s20] =	ssyncadd.s32 $0xFFFF9C00  }
.LBB2_3:
0x2a: {  	v5 =	vmov s28;
	_ =	sdelay $0x3  }
0x2b: {  	s31 =	simm.s32 $0x0  }
0x2c: {  	v8 =	vld.idx.msk [tilespmem:v5+s31+$0x0 ss:$0x1], $0xffff  }
0x2d: {  	v9 =	vld.idx.msk [tilespmem:v5+s31+$0x80 ss:$0x1], $0xffff  }
0x2e: {  	v10 =	vld.idx.msk [tilespmem:v5+s31+$0x100 ss:$0x1], $0xffff  }
0x2f: {  	v6 =	vmov s29;
	v11 =	vld.idx.msk [tilespmem:v5+s31+$0x180 ss:$0x1], $0xffff  }
0x30: {  	v12 =	vld.idx.msk [tilespmem:v5+s31+$0xFFFFFE00 ss:$0x1], $0xffff  }
0x31: {  	v13 =	vld.idx.msk [tilespmem:v5+s31+$0xFFFFFE80 ss:$0x1], $0xffff  }
0x32: {  	v14 =	vld.idx.msk [tilespmem:v5+s31+$0xFFFFFF00 ss:$0x1], $0xffff  }
0x33: {  	v15 =	vld.idx.msk [tilespmem:v5+s31+$0xFFFFFF80 ss:$0x1], $0xffff  }
0x34: {  	v16 =	vld.idx.msk [tilespmem:v6+s31+$0x200 ss:$0x1], $0xffff  }
0x35: {  	v17 =	vld.idx.msk [tilespmem:v6+s31+$0x280 ss:$0x1], $0xffff  }
0x36: {  	v18 =	vld.idx.msk [tilespmem:v6+s31+$0x0 ss:$0x1], $0xffff  }
0x37: {  	v2 =	vimm.f32 $0.0e+00;
	v19 =	vld.idx.msk [tilespmem:v6+s31+$0x80 ss:$0x1], $0xffff  }
0x38: {  	s30 =	sshll.u32 s26, $0x4;
	s0 =	simm.s32 $0x1000;
	v7 =	vimm.f32 $0.0e+00;
	v3 =	vimm.f32 $0.0e+00;
	v4 =	vimm.f32 $0.0e+00;
	v20 =	vld.idx.msk [tilespmem:v6+s31+$0x100 ss:$0x1], $0xffff  }
.LBB2_4:
0x39: {  	p2 =	sne.s32 s0, $0x18000;
	v21 =	vld.idx.msk [tilespmem:v6+s31+$0x180 ss:$0x1], $0xffff  }
0x3a: {  	v22 =	vld.idx.msk [tilespmem:v6+s31+$0x300 ss:$0x1], $0xffff  }
0x3b: {  	v23 =	vld.idx.msk [tilespmem:v6+s31+$0x380 ss:$0x1], $0xffff  }
0x3c: {  	v16 =	vld.idx.msk [tilespmem:v16+s5+$0x0], $0xffff  }
0x3d: {  	v17 =	vld.idx.msk [tilespmem:v17+s5+$0x0], $0xffff  }
0x3e: {  	v18 =	vld.idx.msk [tilespmem:v18+s5+$0x0], $0xffff  }
0x3f: {  	v19 =	vld.idx.msk [tilespmem:v19+s5+$0x0], $0xffff  }
0x40: {  	v20 =	vld.idx.msk [tilespmem:v20+s5+$0x0], $0xffff  }
0x41: {  	v24 =	vcvt.s32.f32 v8;
	v25 =	vcvt.s32.f32 v9;
	v21 =	vld.idx.msk [tilespmem:v21+s5+$0x0], $0xffff  }
0x42: {  	v26 =	vcvt.s32.f32 v10;
	v27 =	vcvt.s32.f32 v11;
	v22 =	vld.idx.msk [tilespmem:v22+s5+$0x0], $0xffff  }
0x43: {  	v11 =	vcvt.s32.f32 v12;
	v12 =	vcvt.s32.f32 v13;
	s31 =	sshra.s32 s0, $0x2;
	v23 =	vld.idx.msk [tilespmem:v23+s5+$0x0], $0xffff  }
0x44: {  	v13 =	vcvt.s32.f32 v14;
	v14 =	vcvt.s32.f32 v15;
	v8 =	vld.idx.msk [tilespmem:v5+s31+$0x0 ss:$0x1], $0xffff  }
0x45: {  	v15 =	vmul.f32 v24, v16;
	v16 =	vmul.f32 v25, v17;
	v9 =	vld.idx.msk [tilespmem:v5+s31+$0x80 ss:$0x1], $0xffff  }
0x46: {  	v17 =	vmul.f32 v11, v18;
	v18 =	vmul.f32 v12, v19;
	v10 =	vld.idx.msk [tilespmem:v5+s31+$0x100 ss:$0x1], $0xffff  }
0x47: {  	v19 =	vmul.f32 v13, v20;
	v14 =	vmul.f32 v14, v21;
	v11 =	vld.idx.msk [tilespmem:v5+s31+$0x180 ss:$0x1], $0xffff  }
0x48: {  	v2 =	vadd.f32 v17, v2;
	v7 =	vadd.f32 v18, v7;
	v17 =	vmul.f32 v26, v22;
	v12 =	vld.idx.msk [tilespmem:v5+s31+$0xFFFFFE00 ss:$0x1], $0xffff  }
0x49: {  	v3 =	vadd.f32 v19, v3;
	v4 =	vadd.f32 v14, v4;
	v18 =	vmul.f32 v27, v23;
	v13 =	vld.idx.msk [tilespmem:v5+s31+$0xFFFFFE80 ss:$0x1], $0xffff  }
0x4a: {  	v2 =	vadd.f32 v15, v2;
	v7 =	vadd.f32 v16, v7;
	v14 =	vld.idx.msk [tilespmem:v5+s31+$0xFFFFFF00 ss:$0x1], $0xffff  }
0x4b: {  	v3 =	vadd.f32 v17, v3;
	v4 =	vadd.f32 v18, v4;
	v15 =	vld.idx.msk [tilespmem:v5+s31+$0xFFFFFF80 ss:$0x1], $0xffff  }
.Ltmp0:
0x4c: {  	v16 =	vld.idx.msk [tilespmem:v6+s31+$0x200 ss:$0x1], $0xffff;
	(pc) =	sbr.rel @p2 .LBB2_4-.Ltmp0, $4  }
0x4d: {  	v17 =	vld.idx.msk [tilespmem:v6+s31+$0x280 ss:$0x1], $0xffff  }
0x4e: {  	v18 =	vld.idx.msk [tilespmem:v6+s31+$0x0 ss:$0x1], $0xffff  }
0x4f: {  	v19 =	vld.idx.msk [tilespmem:v6+s31+$0x80 ss:$0x1], $0xffff  }
0x50: {  	s0 =	sadd.s32 $0x1000, s0;
	v20 =	vld.idx.msk [tilespmem:v6+s31+$0x100 ss:$0x1], $0xffff  }
0x51: {  	_ =	sdelay $0x3  }
0x52: {  	v5 =	vld.idx.msk [tilespmem:v6+s31+$0x180 ss:$0x1], $0xffff  }
0x53: {  	v21 =	vld.idx.msk [tilespmem:v6+s31+$0x300 ss:$0x1], $0xffff  }
0x54: {  	v61 =	vld.idx.msk [tilespmem:v6+s31+$0x380 ss:$0x1], $0xffff  }
0x55: {  	v16 =	vld.idx.msk [tilespmem:v16+s5+$0x0], $0xffff  }
0x56: {  	v17 =	vld.idx.msk [tilespmem:v17+s5+$0x0], $0xffff  }
0x57: {  	v18 =	vld.idx.msk [tilespmem:v18+s5+$0x0], $0xffff  }
0x58: {  	v19 =	vld.idx.msk [tilespmem:v19+s5+$0x0], $0xffff  }
0x59: {  	v8 =	vcvt.s32.f32 v8;
	v20 =	vld.idx.msk [tilespmem:v20+s5+$0x0], $0xffff  }
0x5a: {  	v9 =	vcvt.s32.f32 v9;
	v10 =	vcvt.s32.f32 v10;
	v5 =	vld.idx.msk [tilespmem:v5+s5+$0x0], $0xffff  }
0x5b: {  	v11 =	vcvt.s32.f32 v11;
	v12 =	vcvt.s32.f32 v12;
	v21 =	vld.idx.msk [tilespmem:v21+s5+$0x0], $0xffff  }
0x5c: {  	v13 =	vcvt.s32.f32 v13;
	v14 =	vcvt.s32.f32 v14;
	v6 =	vld.idx.msk [tilespmem:v61+s5+$0x0], $0xffff  }
0x5d: {  	v15 =	vcvt.s32.f32 v15;
	v12 =	vmul.f32 v12, v18  }
0x5e: {  	v13 =	vmul.f32 v13, v19;
	v14 =	vmul.f32 v14, v20  }
0x5f: {  	v8 =	vmul.f32 v8, v16;
	v2 =	vadd.f32 v12, v2;
	v5 =	vmul.f32 v15, v5  }
0x60: {  	v9 =	vmul.f32 v9, v17;
	v7 =	vadd.f32 v13, v7;
	v3 =	vadd.f32 v14, v3  }
0x61: {  	v10 =	vmul.f32 v10, v21;
	v62 =	vmul.f32 v11, v6;
	v4 =	vadd.f32 v5, v4  }
0x62: {  	v2 =	vadd.f32 v8, v2;
	v63 =	vadd.f32 v9, v7  }
0x63: {  	v3 =	vadd.f32 v10, v3;
	v4 =	vadd.f32 v62, v4;
	_ =	sdelay $0x1  }
0x64: {  	v2 =	vadd.f32 v63, v2;
	v3 =	vadd.f32 v4, v3;
	_ =	sdelay $0x1  }
0x65: {  	v2 =	vadd.f32 v3, v2;
	_ =	sdelay $0x1  }
0x66: {  	v2 =	vadd.f32 v2, v0;
	_ =	sdelay $0x1  }
0x67: {  	v2 =	vsub.f32 $0.0e+00, v2;
	_ =	sdelay $0x1  }
0x68: {  	v2 =	vmul.f32 $1.442695020e+00, v2;
	_ =	sdelay $0x1  }
0x69: {  	(erf) = vpow2.f32 v2;
	_ =	sdelay $0x8  }
0x6a: {  	v2 =	vpop (erf)  }
0x6b: {  	v2 =	vadd.f32 $1.000000000e+00, v2;
	_ =	sdelay $0x1  }
0x6c: {  	(erf) = vrcp.f32 v2;
	_ =	sdelay $0x3  }
0x6d: {  	s26 =	sadd.s32 $0x1, s26  }
0x6e: {  	p2 =	sne.s32 s26, $0x8  }
.Ltmp1:
0x6f: {  	_ = 	snop;
	(pc) =	sbr.rel @p2 .LBB2_3-.Ltmp1, $3  }
0x70: {  	_ =	sdelay $0x1  }
0x71: {  	v2 =	vpop (erf)  }
0x72: {  	s28 =	sadd.s32 $0x10, s28;
	s29 =	sadd.s32 $0x10, s29;
	[tilespmem:v1+s30+$0x0 ss:$0x1] =	vst.idx.msk $0xffff, v2  }
0x73: {  	s0 =	sadd.s32 @!p1 s25, s10;
	s26 =	simm.s32 @!p1 $0x400  }
0x74: {  	s28 =	simm.s32 @!p1 $0x20000;
	s29 =	simm.s32 @!p1 $0x480;
	s25 =	sadd.s32 @!p1 s1, s0  }
0x75: {  	[tilespmem:s29], [sflag:$0x1] =	stream.strided.gather @!p1 [hbm4b:s25+s26], $0x6400, s28, s26, $0x38;
	[tilespmem:$0x19680] =	vst v63  }
0x76: {  	s0 =	sadd.s32 @!p1 s2, s0;
	s25 =	simm.s32 @!p1 $0x6880  }
0x77: {  	[tilespmem:s25], [sflag:$0x1] =	stream.strided.gather @!p1 [hbm4b:s0+s26], $0x6400, s28, s26, $0x38;
	[tilespmem:$0x19680] =	vst v63  }
0x78: {  	_ =	swait.ge [sflag:s21], $0x6400  }
0x79: {  	[sflag:s21] =	ssyncset.done $0x0  }
0x7a: {  	[sflag:s21] =	ssyncadd.s32 $0xFFFF9C00  }
0x7b: {  	_ =	swait.ge [sflag:s21], $0x6400  }
0x7c: {  	s31 =	sadd.s32 $0x19480, s24;
	s24 =	simm.s32 $0x0;
	[sflag:s21] =	ssyncset.done $0x0  }
0x7d: {  	v1 =	vmov s31;
	s25 =	simm.s32 $0xCE80;
	s26 =	simm.s32 $0x13080;
	[sflag:s21] =	ssyncadd.s32 $0xFFFF9C00  }
.LBB2_7:
0x7e: {  	v5 =	vmov s25;
	_ =	sdelay $0x3  }
0x7f: {  	s29 =	simm.s32 $0x0  }
0x80: {  	v8 =	vld.idx.msk [tilespmem:v5+s29+$0x0 ss:$0x1], $0xffff  }
0x81: {  	v9 =	vld.idx.msk [tilespmem:v5+s29+$0x80 ss:$0x1], $0xffff  }
0x82: {  	v10 =	vld.idx.msk [tilespmem:v5+s29+$0x100 ss:$0x1], $0xffff  }
0x83: {  	v6 =	vmov s26;
	v11 =	vld.idx.msk [tilespmem:v5+s29+$0x180 ss:$0x1], $0xffff  }
0x84: {  	v12 =	vld.idx.msk [tilespmem:v5+s29+$0xFFFFFE00 ss:$0x1], $0xffff  }
0x85: {  	v13 =	vld.idx.msk [tilespmem:v5+s29+$0xFFFFFE80 ss:$0x1], $0xffff  }
0x86: {  	v14 =	vld.idx.msk [tilespmem:v5+s29+$0xFFFFFF00 ss:$0x1], $0xffff  }
0x87: {  	v15 =	vld.idx.msk [tilespmem:v5+s29+$0xFFFFFF80 ss:$0x1], $0xffff  }
0x88: {  	v16 =	vld.idx.msk [tilespmem:v6+s29+$0x200 ss:$0x1], $0xffff  }
0x89: {  	v17 =	vld.idx.msk [tilespmem:v6+s29+$0x280 ss:$0x1], $0xffff  }
0x8a: {  	v18 =	vld.idx.msk [tilespmem:v6+s29+$0x0 ss:$0x1], $0xffff  }
0x8b: {  	v2 =	vimm.f32 $0.0e+00;
	v19 =	vld.idx.msk [tilespmem:v6+s29+$0x80 ss:$0x1], $0xffff  }
0x8c: {  	s28 =	sshll.u32 s24, $0x4;
	s0 =	simm.s32 $0x1000;
	v7 =	vimm.f32 $0.0e+00;
	v3 =	vimm.f32 $0.0e+00;
	v4 =	vimm.f32 $0.0e+00;
	v20 =	vld.idx.msk [tilespmem:v6+s29+$0x100 ss:$0x1], $0xffff  }
.LBB2_8:
0x8d: {  	p1 =	sne.s32 s0, $0x18000;
	v21 =	vld.idx.msk [tilespmem:v6+s29+$0x180 ss:$0x1], $0xffff  }
0x8e: {  	v22 =	vld.idx.msk [tilespmem:v6+s29+$0x300 ss:$0x1], $0xffff  }
0x8f: {  	v23 =	vld.idx.msk [tilespmem:v6+s29+$0x380 ss:$0x1], $0xffff  }
0x90: {  	v16 =	vld.idx.msk [tilespmem:v16+s5+$0x0], $0xffff  }
0x91: {  	v17 =	vld.idx.msk [tilespmem:v17+s5+$0x0], $0xffff  }
0x92: {  	v18 =	vld.idx.msk [tilespmem:v18+s5+$0x0], $0xffff  }
0x93: {  	v19 =	vld.idx.msk [tilespmem:v19+s5+$0x0], $0xffff  }
0x94: {  	v20 =	vld.idx.msk [tilespmem:v20+s5+$0x0], $0xffff  }
0x95: {  	v24 =	vcvt.s32.f32 v8;
	v25 =	vcvt.s32.f32 v9;
	v21 =	vld.idx.msk [tilespmem:v21+s5+$0x0], $0xffff  }
0x96: {  	v26 =	vcvt.s32.f32 v10;
	v27 =	vcvt.s32.f32 v11;
	v22 =	vld.idx.msk [tilespmem:v22+s5+$0x0], $0xffff  }
0x97: {  	v11 =	vcvt.s32.f32 v12;
	v12 =	vcvt.s32.f32 v13;
	s29 =	sshra.s32 s0, $0x2;
	v23 =	vld.idx.msk [tilespmem:v23+s5+$0x0], $0xffff  }
0x98: {  	v13 =	vcvt.s32.f32 v14;
	v14 =	vcvt.s32.f32 v15;
	v8 =	vld.idx.msk [tilespmem:v5+s29+$0x0 ss:$0x1], $0xffff  }
0x99: {  	v15 =	vmul.f32 v24, v16;
	v16 =	vmul.f32 v25, v17;
	v9 =	vld.idx.msk [tilespmem:v5+s29+$0x80 ss:$0x1], $0xffff  }
0x9a: {  	v17 =	vmul.f32 v11, v18;
	v18 =	vmul.f32 v12, v19;
	v10 =	vld.idx.msk [tilespmem:v5+s29+$0x100 ss:$0x1], $0xffff  }
0x9b: {  	v19 =	vmul.f32 v13, v20;
	v14 =	vmul.f32 v14, v21;
	v11 =	vld.idx.msk [tilespmem:v5+s29+$0x180 ss:$0x1], $0xffff  }
0x9c: {  	v2 =	vadd.f32 v17, v2;
	v7 =	vadd.f32 v18, v7;
	v17 =	vmul.f32 v26, v22;
	v12 =	vld.idx.msk [tilespmem:v5+s29+$0xFFFFFE00 ss:$0x1], $0xffff  }
0x9d: {  	v3 =	vadd.f32 v19, v3;
	v4 =	vadd.f32 v14, v4;
	v18 =	vmul.f32 v27, v23;
	v13 =	vld.idx.msk [tilespmem:v5+s29+$0xFFFFFE80 ss:$0x1], $0xffff  }
0x9e: {  	v2 =	vadd.f32 v15, v2;
	v7 =	vadd.f32 v16, v7;
	v14 =	vld.idx.msk [tilespmem:v5+s29+$0xFFFFFF00 ss:$0x1], $0xffff  }
0x9f: {  	v3 =	vadd.f32 v17, v3;
	v4 =	vadd.f32 v18, v4;
	v15 =	vld.idx.msk [tilespmem:v5+s29+$0xFFFFFF80 ss:$0x1], $0xffff  }
.Ltmp2:
0xa0: {  	v16 =	vld.idx.msk [tilespmem:v6+s29+$0x200 ss:$0x1], $0xffff;
	(pc) =	sbr.rel @p1 .LBB2_8-.Ltmp2, $4  }
0xa1: {  	v17 =	vld.idx.msk [tilespmem:v6+s29+$0x280 ss:$0x1], $0xffff  }
0xa2: {  	v18 =	vld.idx.msk [tilespmem:v6+s29+$0x0 ss:$0x1], $0xffff  }
0xa3: {  	v19 =	vld.idx.msk [tilespmem:v6+s29+$0x80 ss:$0x1], $0xffff  }
0xa4: {  	s0 =	sadd.s32 $0x1000, s0;
	v20 =	vld.idx.msk [tilespmem:v6+s29+$0x100 ss:$0x1], $0xffff  }
0xa5: {  	_ =	sdelay $0x3  }
0xa6: {  	v5 =	vld.idx.msk [tilespmem:v6+s29+$0x180 ss:$0x1], $0xffff  }
0xa7: {  	v21 =	vld.idx.msk [tilespmem:v6+s29+$0x300 ss:$0x1], $0xffff  }
0xa8: {  	v61 =	vld.idx.msk [tilespmem:v6+s29+$0x380 ss:$0x1], $0xffff  }
0xa9: {  	v16 =	vld.idx.msk [tilespmem:v16+s5+$0x0], $0xffff  }
0xaa: {  	v17 =	vld.idx.msk [tilespmem:v17+s5+$0x0], $0xffff  }
0xab: {  	v18 =	vld.idx.msk [tilespmem:v18+s5+$0x0], $0xffff  }
0xac: {  	v19 =	vld.idx.msk [tilespmem:v19+s5+$0x0], $0xffff  }
0xad: {  	v8 =	vcvt.s32.f32 v8;
	v20 =	vld.idx.msk [tilespmem:v20+s5+$0x0], $0xffff  }
0xae: {  	v9 =	vcvt.s32.f32 v9;
	v10 =	vcvt.s32.f32 v10;
	v5 =	vld.idx.msk [tilespmem:v5+s5+$0x0], $0xffff  }
0xaf: {  	v11 =	vcvt.s32.f32 v11;
	v12 =	vcvt.s32.f32 v12;
	v21 =	vld.idx.msk [tilespmem:v21+s5+$0x0], $0xffff  }
0xb0: {  	v13 =	vcvt.s32.f32 v13;
	v14 =	vcvt.s32.f32 v14;
	v6 =	vld.idx.msk [tilespmem:v61+s5+$0x0], $0xffff  }
0xb1: {  	v15 =	vcvt.s32.f32 v15;
	v12 =	vmul.f32 v12, v18  }
0xb2: {  	v13 =	vmul.f32 v13, v19;
	v14 =	vmul.f32 v14, v20  }
0xb3: {  	v8 =	vmul.f32 v8, v16;
	v2 =	vadd.f32 v12, v2;
	v5 =	vmul.f32 v15, v5  }
0xb4: {  	v9 =	vmul.f32 v9, v17;
	v7 =	vadd.f32 v13, v7;
	v3 =	vadd.f32 v14, v3  }
0xb5: {  	v10 =	vmul.f32 v10, v21;
	v62 =	vmul.f32 v11, v6;
	v4 =	vadd.f32 v5, v4  }
0xb6: {  	v2 =	vadd.f32 v8, v2;
	v63 =	vadd.f32 v9, v7  }
0xb7: {  	v3 =	vadd.f32 v10, v3;
	v4 =	vadd.f32 v62, v4;
	_ =	sdelay $0x1  }
0xb8: {  	v2 =	vadd.f32 v63, v2;
	v3 =	vadd.f32 v4, v3;
	_ =	sdelay $0x1  }
0xb9: {  	v2 =	vadd.f32 v3, v2;
	_ =	sdelay $0x1  }
0xba: {  	v2 =	vadd.f32 v2, v0;
	_ =	sdelay $0x1  }
0xbb: {  	v2 =	vsub.f32 $0.0e+00, v2;
	_ =	sdelay $0x1  }
0xbc: {  	v2 =	vmul.f32 $1.442695020e+00, v2;
	_ =	sdelay $0x1  }
0xbd: {  	(erf) = vpow2.f32 v2;
	_ =	sdelay $0x8  }
0xbe: {  	v2 =	vpop (erf)  }
0xbf: {  	v2 =	vadd.f32 $1.000000000e+00, v2;
	_ =	sdelay $0x1  }
0xc0: {  	(erf) = vrcp.f32 v2;
	_ =	sdelay $0x3  }
0xc1: {  	s24 =	sadd.s32 $0x1, s24  }
0xc2: {  	p1 =	sne.s32 s24, $0x8  }
.Ltmp3:
0xc3: {  	_ = 	snop;
	(pc) =	sbr.rel @p1 .LBB2_7-.Ltmp3, $3  }
0xc4: {  	_ =	sdelay $0x1  }
0xc5: {  	v2 =	vpop (erf)  }
0xc6: {  	s25 =	sadd.s32 $0x10, s25;
	s26 =	sadd.s32 $0x10, s26;
	[tilespmem:v1+s28+$0x0 ss:$0x1] =	vst.idx.msk $0xffff, v2  }
.Ltmp4:
0xc7: {  	(pc) =	sbr.rel @p0 .LBB2_2-.Ltmp4, $2  }
0xc8: {  	_ =	sdelay $0x2  }
0xc9: {  	s0 =	simm.s32 $0x1;
	p2 =	por $0x0, $0x0;
	p1 =	por $0x1, $0x1  }
0xca: {  	s23 =	sadd.s32 $0x1, s23  }
0xcb: {  	p0 =	sne.s32 s23, s12  }
.Ltmp5:
0xcc: {  	_ = 	snop;
	(pc) =	sbr.rel @p0 .LBB2_1-.Ltmp5, $4  }
0xcd: {  	[hbm4b:s11+s5] =	stream.linear.scatter [tilespmem:s22], [sflag:$0x3], $0x200, $0x38;
	[tilespmem:$0x19680] =	vst v63  }
0xce: {  	_ =	swait.ge [sflag:s17], $0x200  }
0xcf: {  	[sflag:s17] =	ssyncset.done $0x0  }
0xd0: {  	[sflag:s17] =	ssyncadd.s32 $0xFFFFFE00  }
0xd1: {  	_ =	sfence.sel $0x180000  }
0xd2: {  	[bflag:$0x0] =	sbarrier.arrive $0xFFFF  }
0xd3: {  	_ =	strace $0x90000047  }
0xd4: {  	[bflag:$0x2] =	sbarrier.arrive $0xFFFF  }
0xd5: {  	p0 =	sne.s32 s4, $0x0;
	s0 =	rddreg [dreg:$0x5]  }
0xd6: {  	s0 =	sadd.s32 @!p0 $0x100000, s0  }
0xd7: {  	[sflag:s0] =	ssyncadd.tile.s32 @!p0 $0x1;
	_ =	shalt  }
.Lfunc_end2:
_tile_overlayer_lowered:
.L_overlay_start_2:
0xd8: {  	(tag) =	ssettag $0x2  }
0xd9: {  	s0 =	rddreg [dreg:$0x0];
	s2 =	stileid.u32  }
0xda: {  	s1 =	rddreg [dreg:$0x1];
	p0 =	sne.s32 s2, $0x0  }
0xdb: {  	s3 =	rddreg [dreg:$0x2];
	[bflag:$0x3] =	sbarrier.arrive $0xFFFF;
	s2 =	simm.s32 @!p0 $0x1C03  }
0xdc: {  	[timem:s3], [sflag:s2] =	dma.local @!p0 [hbm:s0], s1  }
0xdd: {  	s0 =	simm.s32 @!p0 $0x3  }
0xde: {  	_ =	swait.ge @!p0 [sflag:s0], s1  }
0xdf: {  	s1 =	ssub.s32 @!p0 $0x0, s1;
	[sflag:s0] =	ssyncset.done @!p0 $0x0  }
0xe0: {  	[sflag:s0] =	ssyncadd.s32 @!p0 s1  }
0xe1: {  	[bflag:$0x3] =	sbarrier.arrive $0xFFFF  }
0xe2: {  	_ =	shalt  }

</sc_bundles>
